<compile_context>
chip_gen: v7x
topology: tpu7x:2x2x1
jax: 0.10.2.dev20260603
libtpu: 0.0.44.dev20260713+nightly
codegen_flags: <defaults>
</compile_context>

<pallas_src>
import functools

import jax
import jax.numpy as jnp
from jax import lax
from jax.experimental import pallas as pl
from jax.experimental.pallas import tpu as pltpu
from jax.experimental.pallas import tpu_sc as plsc

_K = 1024
_D = 256



def _argmax_body(z_ref, cb_ref, idx_ref, cbn_ref):
    @pl.when(pl.program_id(0) == 0)
    def _():
        c = cb_ref[...]
        inv_norm = lax.rsqrt(jnp.maximum(jnp.sum(c * c, axis=1), 1e-24))
        cbn_ref[...] = (c * inv_norm[:, None]).astype(jnp.bfloat16)

    logits = lax.dot_general(
        z_ref[...].astype(jnp.bfloat16), cbn_ref[...],
        (((1,), (1,)), ((), ())),
        preferred_element_type=jnp.float32,
    )
    idx_ref[...] = jnp.argmax(logits, axis=1).astype(jnp.int32)


def _compute_indices(z2d, codebook, n_tok, tm):
    grid = n_tok // tm
    return pl.pallas_call(
        _argmax_body,
        grid=(grid,),
        in_specs=[
            pl.BlockSpec((tm, _D), lambda i: (i, 0)),
            pl.BlockSpec((_K, _D), lambda i: (0, 0)),
        ],
        out_specs=pl.BlockSpec((tm,), lambda i: (i,)),
        out_shape=jax.ShapeDtypeStruct((n_tok,), jnp.int32),
        scratch_shapes=[pltpu.VMEM((_K, _D), jnp.bfloat16)],
    )(z2d, codebook)



_NC, _NS, _L = 2, 16, 16
_NW = _NC * _NS


def _sc_gather_mul(idx, target2d, E, n_tok, ch):
    bpw = n_tok // _NW
    nch = bpw // ch
    mesh = plsc.VectorSubcoreMesh(core_axis_name="c", subcore_axis_name="s")

    @functools.partial(
        pl.kernel,
        mesh=mesh,
        out_type=jax.ShapeDtypeStruct((n_tok, _D), jnp.float32),
        scratch_types=(
            [pltpu.VMEM((bpw,), jnp.int32),
             pltpu.VMEM((bpw, _D), jnp.float32),
             pltpu.VMEM((ch, _D), jnp.float32),
             pltpu.VMEM((ch, _D), jnp.float32)]
            + [pltpu.SemaphoreType.DMA] * (nch + 4)
        ),
    )
    def body(idx_hbm, tgt_hbm, e_hbm, out_hbm, idx_v, rows_v, tb0, tb1, *sems):
        tb = (tb0, tb1)
        sg = sems[:nch]
        st = sems[nch:nch + 2]
        so = sems[nch + 2:nch + 4]
        wid = lax.axis_index("s") * _NC + lax.axis_index("c")
        base = wid * bpw
        pltpu.sync_copy(idx_hbm.at[pl.ds(base, bpw)], idx_v)
        gathers = [
            pltpu.async_copy(
                e_hbm.at[idx_v.at[pl.ds(c * ch, ch)]],
                rows_v.at[pl.ds(c * ch, ch)], sg[c])
            for c in range(nch)
        ]
        tgt_c = {0: pltpu.async_copy(
            tgt_hbm.at[pl.ds(base, ch)], tb[0], st[0])}
        out_c = {}
        for c in range(nch):
            if c + 1 < nch:
                nb = (c + 1) % 2
                if c + 1 >= 2:
                    out_c[c - 1].wait()
                tgt_c[c + 1] = pltpu.async_copy(
                    tgt_hbm.at[pl.ds(base + (c + 1) * ch, ch)], tb[nb],
                    st[nb])
            gathers[c].wait()
            tgt_c[c].wait()
            buf = tb[c % 2]

            def row_body(r, _, c=c, buf=buf):
                for l in range(_D // _L):
                    sl = pl.ds(l * _L, _L)
                    buf[r, sl] = buf[r, sl] * (rows_v[c * ch + r, sl] + 1.0)
                return 0

            lax.fori_loop(0, ch, row_body, 0)
            out_c[c] = pltpu.async_copy(
                buf, out_hbm.at[pl.ds(base + c * ch, ch)], so[c % 2])
        out_c[nch - 2].wait()
        out_c[nch - 1].wait()

    return body(idx, target2d, E)


def kernel(z, target, codebook, E):
    B, N, D = z.shape
    z2d = z.reshape(B * N, D)
    tgt2d = target.reshape(B * N, D)
    n_tok = B * N
    tm = 1024 if n_tok % 1024 == 0 else 512
    ch = 96 if (n_tok // _NW) % 96 == 0 else 72
    idx = _compute_indices(z2d, codebook, n_tok, tm)
    out2d = _sc_gather_mul(idx, tgt2d, E, n_tok, ch)
    return out2d.reshape(B, N, D)

# --- scband reference (transcript-rebuilt; emitter-appended) ---
"""Pipeline reference for scband-vqgate-61701500175229 (READ-ONLY COPY).

The authoritative reference and input builder live on the scoring server;
editing this copy changes nothing except your own understanding.
"""

import jax, jax.numpy as jnp
import numpy as np
import math

K = 1024
D_IN = 256
D_G = 256
TAU = 20.0
B = 16
N = 576


def _l2_normalize(x, eps=1e-12):
    # Matches torch F.normalize: x / max(||x||_2, eps)
    n = jnp.linalg.norm(x, axis=-1, keepdims=True)
    return x / jnp.maximum(n, eps)


def setup_inputs(seed: int = 0) -> dict:
    key = jax.random.key(seed)
    k1, k2, k3, k4 = jax.random.split(key, 4)
    z = jax.random.normal(k1, (B, N, D_IN), dtype=jnp.float32)
    target = jax.random.normal(k2, (B, N, D_G), dtype=jnp.float32)
    codebook = jax.random.normal(k3, (K, D_IN), dtype=jnp.float32) / math.sqrt(D_IN)
    # Module init sets E to zeros; use small random values so the gate path is numerically exercised.
    E = jax.random.normal(k4, (K, D_G), dtype=jnp.float32) * 0.02
    return {"z": z, "target": target, "codebook": codebook, "E": E}


def reference(z, target, codebook, E):
    zf = _l2_normalize(z)
    Cf = _l2_normalize(codebook)
    logits = TAU * jnp.einsum('bnd,kd->bnk', zf, Cf)
    soft = jax.nn.softmax(logits, axis=-1)
    hard_idx = jnp.argmax(soft, axis=-1)
    hard = jax.nn.one_hot(hard_idx, K, dtype=soft.dtype)
    alpha_st = jax.lax.stop_gradient(hard - soft) + soft
    g = jnp.einsum('bnk,kd->bnd', alpha_st, E)
    return target * (1.0 + g)

if __name__ == "__main__":
    import jax
    _d = setup_inputs()
    print(jax.jit(kernel)(*tuple(_d.values())))

</pallas_src>

<mosaic_0001>
#map = affine_map<(d0, d1) -> (0)>
#map1 = affine_map<(d0, d1) -> (0, 0)>
module attributes {stable_mosaic.version = 14 : i64} {
  func.func @body(%arg0: i32, %arg1: i32, %arg2: memref<9216xi32, #tpu.memory_space<hbm>>, %arg3: memref<9216x256xf32, #tpu.memory_space<hbm>>, %arg4: memref<1024x256xf32, #tpu.memory_space<hbm>>, %arg5: memref<9216x256xf32, #tpu.memory_space<hbm>>, %arg6: memref<288xi32, #tpu.memory_space<vmem>>, %arg7: memref<288x256xf32, #tpu.memory_space<vmem>>, %arg8: memref<96x256xf32, #tpu.memory_space<vmem>>, %arg9: memref<96x256xf32, #tpu.memory_space<vmem>>, %arg10: memref<!tpu.dma_semaphore, #tpu.memory_space<semaphore_mem>>, %arg11: memref<!tpu.dma_semaphore, #tpu.memory_space<semaphore_mem>>, %arg12: memref<!tpu.dma_semaphore, #tpu.memory_space<semaphore_mem>>, %arg13: memref<!tpu.dma_semaphore, #tpu.memory_space<semaphore_mem>>, %arg14: memref<!tpu.dma_semaphore, #tpu.memory_space<semaphore_mem>>, %arg15: memref<!tpu.dma_semaphore, #tpu.memory_space<semaphore_mem>>, %arg16: memref<!tpu.dma_semaphore, #tpu.memory_space<semaphore_mem>>) attributes {dimension_semantics = [#tpu.dimension_semantics<core_parallel>, #tpu.dimension_semantics<subcore_parallel>], iteration_bounds = array<i64: 2, 16>, scalar_prefetch = 0 : i64, scratch_operands = 11 : i64, tpu.core_type = #tpu.core_type<sc_vector_subcore>, window_params = [{transform_indices = #map}, {transform_indices = #map1}, {transform_indices = #map1}, {transform_indices = #map1}]} {
    %mul3A = arith.constant 2 : i32
    %mul3A_0 = arith.muli %arg1, %mul3A : i32
    %add3A = arith.addi %mul3A_0, %arg0 : i32
    %mul3A_1 = arith.constant 288 : i32
    %mul3A_2 = arith.muli %add3A, %mul3A_1 : i32
    "tpu.region"() ({
      %run_scoped3A = tpu.sem_alloc : memref<!tpu.dma_semaphore, #tpu.memory_space<semaphore_mem>>
      %dma_start3A_127 = tpu.memref_slice %arg2[%mul3A_2] : memref<9216xi32, #tpu.memory_space<hbm>> -> memref<288xi32, #tpu.memory_space<hbm>>
      %dma_start3A_128 = tpu.memref_slice %arg2[%mul3A_2] : memref<9216xi32, #tpu.memory_space<hbm>> -> memref<288xi32, #tpu.memory_space<hbm>>
      tpu.enqueue_dma source(%dma_start3A_128 : memref<288xi32, #tpu.memory_space<hbm>>) target(%arg6 : memref<288xi32, #tpu.memory_space<vmem>>) target_semaphore(%run_scoped3A : memref<!tpu.dma_semaphore, #tpu.memory_space<semaphore_mem>>)
      %dma_wait3A_129 = tpu.memref_slice %arg2[%mul3A_2] : memref<9216xi32, #tpu.memory_space<hbm>> -> memref<288xi32, #tpu.memory_space<hbm>>
      %dma_wait3A_130 = tpu.memref_slice %arg2[%mul3A_2] : memref<9216xi32, #tpu.memory_space<hbm>> -> memref<288xi32, #tpu.memory_space<hbm>>
      tpu.wait_dma2 semaphore(%run_scoped3A : memref<!tpu.dma_semaphore, #tpu.memory_space<semaphore_mem>>) src(%dma_wait3A_130 : memref<288xi32, #tpu.memory_space<hbm>>) dst(%arg6 : memref<288xi32, #tpu.memory_space<vmem>>)
      tpu.yield
    }) : () -> ()
    %dma_start3A = arith.constant 0 : i32
    %dma_start3A_3 = arith.constant 0 : i32
    %dma_start3A_4 = tpu.memref_slice %arg7[%dma_start3A, %dma_start3A_3] : memref<288x256xf32, #tpu.memory_space<vmem>> -> memref<96x256xf32, #tpu.memory_space<vmem>>
    %dma_start3A_5 = arith.constant 0 : i32
    %dma_start3A_6 = tpu.memref_slice %arg6[%dma_start3A_5] : memref<288xi32, #tpu.memory_space<vmem>> -> memref<96xi32, #tpu.memory_space<vmem>>
    %dma_start3A_7 = arith.constant 0 : i32
    %dma_start3A_8 = arith.constant 0 : i32
    %dma_start3A_9 = tpu.memref_slice %arg4[%dma_start3A_7, %dma_start3A_8] : memref<1024x256xf32, #tpu.memory_space<hbm>> -> memref<1024x256xf32, #tpu.memory_space<hbm>>
    tpu.enqueue_indirect_dma source(%dma_start3A_9 : memref<1024x256xf32, #tpu.memory_space<hbm>>) target(%dma_start3A_4 : memref<96x256xf32, #tpu.memory_space<vmem>>) offsets(%dma_start3A_6 : memref<96xi32, #tpu.memory_space<vmem>>) semaphore(%arg10 : memref<!tpu.dma_semaphore, #tpu.memory_space<semaphore_mem>>)
    %dma_start3A_10 = arith.constant 96 : i32
    %dma_start3A_11 = arith.constant 0 : i32
    %dma_start3A_12 = tpu.memref_slice %arg7[%dma_start3A_10, %dma_start3A_11] : memref<288x256xf32, #tpu.memory_space<vmem>> -> memref<96x256xf32, #tpu.memory_space<vmem>>
    %dma_start3A_13 = arith.constant 96 : i32
    %dma_start3A_14 = tpu.memref_slice %arg6[%dma_start3A_13] : memref<288xi32, #tpu.memory_space<vmem>> -> memref<96xi32, #tpu.memory_space<vmem>>
    %dma_start3A_15 = arith.constant 0 : i32
    %dma_start3A_16 = arith.constant 0 : i32
    %dma_start3A_17 = tpu.memref_slice %arg4[%dma_start3A_15, %dma_start3A_16] : memref<1024x256xf32, #tpu.memory_space<hbm>> -> memref<1024x256xf32, #tpu.memory_space<hbm>>
    tpu.enqueue_indirect_dma source(%dma_start3A_17 : memref<1024x256xf32, #tpu.memory_space<hbm>>) target(%dma_start3A_12 : memref<96x256xf32, #tpu.memory_space<vmem>>) offsets(%dma_start3A_14 : memref<96xi32, #tpu.memory_space<vmem>>) semaphore(%arg11 : memref<!tpu.dma_semaphore, #tpu.memory_space<semaphore_mem>>)
    %dma_start3A_18 = arith.constant 192 : i32
    %dma_start3A_19 = arith.constant 0 : i32
    %dma_start3A_20 = tpu.memref_slice %arg7[%dma_start3A_18, %dma_start3A_19] : memref<288x256xf32, #tpu.memory_space<vmem>> -> memref<96x256xf32, #tpu.memory_space<vmem>>
    %dma_start3A_21 = arith.constant 192 : i32
    %dma_start3A_22 = tpu.memref_slice %arg6[%dma_start3A_21] : memref<288xi32, #tpu.memory_space<vmem>> -> memref<96xi32, #tpu.memory_space<vmem>>
    %dma_start3A_23 = arith.constant 0 : i32
    %dma_start3A_24 = arith.constant 0 : i32
    %dma_start3A_25 = tpu.memref_slice %arg4[%dma_start3A_23, %dma_start3A_24] : memref<1024x256xf32, #tpu.memory_space<hbm>> -> memref<1024x256xf32, #tpu.memory_space<hbm>>
    tpu.enqueue_indirect_dma source(%dma_start3A_25 : memref<1024x256xf32, #tpu.memory_space<hbm>>) target(%dma_start3A_20 : memref<96x256xf32, #tpu.memory_space<vmem>>) offsets(%dma_start3A_22 : memref<96xi32, #tpu.memory_space<vmem>>) semaphore(%arg12 : memref<!tpu.dma_semaphore, #tpu.memory_space<semaphore_mem>>)
    %dma_start3A_26 = arith.constant 0 : i32
    %dma_start3A_27 = tpu.memref_slice %arg3[%mul3A_2, %dma_start3A_26] : memref<9216x256xf32, #tpu.memory_space<hbm>> -> memref<96x256xf32, #tpu.memory_space<hbm>>
    %dma_start3A_28 = arith.constant 0 : i32
    %dma_start3A_29 = tpu.memref_slice %arg3[%mul3A_2, %dma_start3A_28] : memref<9216x256xf32, #tpu.memory_space<hbm>> -> memref<96x256xf32, #tpu.memory_space<hbm>>
    tpu.enqueue_dma source(%dma_start3A_29 : memref<96x256xf32, #tpu.memory_space<hbm>>) target(%arg8 : memref<96x256xf32, #tpu.memory_space<vmem>>) target_semaphore(%arg13 : memref<!tpu.dma_semaphore, #tpu.memory_space<semaphore_mem>>)
    %add3A_30 = arith.constant 96 : i32
    %add3A_31 = arith.addi %mul3A_2, %add3A_30 : i32
    %dma_start3A_32 = arith.constant 0 : i32
    %dma_start3A_33 = tpu.memref_slice %arg3[%add3A_31, %dma_start3A_32] : memref<9216x256xf32, #tpu.memory_space<hbm>> -> memref<96x256xf32, #tpu.memory_space<hbm>>
    %dma_start3A_34 = arith.constant 0 : i32
    %dma_start3A_35 = tpu.memref_slice %arg3[%add3A_31, %dma_start3A_34] : memref<9216x256xf32, #tpu.memory_space<hbm>> -> memref<96x256xf32, #tpu.memory_space<hbm>>
    tpu.enqueue_dma source(%dma_start3A_35 : memref<96x256xf32, #tpu.memory_space<hbm>>) target(%arg9 : memref<96x256xf32, #tpu.memory_space<vmem>>) target_semaphore(%arg14 : memref<!tpu.dma_semaphore, #tpu.memory_space<semaphore_mem>>)
    %dma_wait3A = arith.constant 0 : i32
    %dma_wait3A_36 = arith.constant 0 : i32
    %dma_wait3A_37 = tpu.memref_slice %arg7[%dma_wait3A, %dma_wait3A_36] : memref<288x256xf32, #tpu.memory_space<vmem>> -> memref<96x256xf32, #tpu.memory_space<vmem>>
    %dma_wait3A_38 = arith.constant 0 : i32
    %dma_wait3A_39 = tpu.memref_slice %arg6[%dma_wait3A_38] : memref<288xi32, #tpu.memory_space<vmem>> -> memref<96xi32, #tpu.memory_space<vmem>>
    %dma_wait3A_40 = arith.constant 0 : i32
    %dma_wait3A_41 = arith.constant 0 : i32
    %dma_wait3A_42 = tpu.memref_slice %arg4[%dma_wait3A_40, %dma_wait3A_41] : memref<1024x256xf32, #tpu.memory_space<hbm>> -> memref<1024x256xf32, #tpu.memory_space<hbm>>
    tpu.wait_indirect_dma semaphore(%arg10 : memref<!tpu.dma_semaphore, #tpu.memory_space<semaphore_mem>>) src(%dma_wait3A_42 : memref<1024x256xf32, #tpu.memory_space<hbm>>) dst(%dma_wait3A_37 : memref<96x256xf32, #tpu.memory_space<vmem>>)
    %dma_wait3A_43 = arith.constant 0 : i32
    %dma_wait3A_44 = tpu.memref_slice %arg3[%mul3A_2, %dma_wait3A_43] : memref<9216x256xf32, #tpu.memory_space<hbm>> -> memref<96x256xf32, #tpu.memory_space<hbm>>
    %dma_wait3A_45 = arith.constant 0 : i32
    %dma_wait3A_46 = tpu.memref_slice %arg3[%mul3A_2, %dma_wait3A_45] : memref<9216x256xf32, #tpu.memory_space<hbm>> -> memref<96x256xf32, #tpu.memory_space<hbm>>
    tpu.wait_dma2 semaphore(%arg13 : memref<!tpu.dma_semaphore, #tpu.memory_space<semaphore_mem>>) src(%dma_wait3A_46 : memref<96x256xf32, #tpu.memory_space<hbm>>) dst(%arg8 : memref<96x256xf32, #tpu.memory_space<vmem>>)
    %scan3A = arith.constant 0 : i32
    %scan3A_47 = arith.constant 0 : i32
    %scan3A_48 = arith.constant 96 : i32
    %scan3A_49 = arith.addi %scan3A_47, %scan3A_48 : i32
    %scan3A_50 = arith.constant 1 : i32
    %scan3A_51 = scf.for %scan3A_127 = %scan3A_47 to %scan3A_49 step %scan3A_50 iter_args(%scan3A_128 = %scan3A) -> (i32)  : i32 {
      %get3A = arith.index_cast %scan3A_127 : i32 to index
      %get3A_129 = arith.constant 0 : index
      %get3A_130 = tpu.vector_load %arg8[%get3A, %get3A_129] {strides = array<i32>} : memref<96x256xf32, #tpu.memory_space<vmem>>, vector<1x16xf32>,
      %get3A_131 = vector.shape_cast %get3A_130 : vector<1x16xf32> to vector<16xf32>
      %add3A_132 = arith.constant 0 : i32
      %add3A_133 = arith.addi %add3A_132, %scan3A_127 : i32
      %get3A_134 = arith.index_cast %add3A_133 : i32 to index
      %get3A_135 = arith.constant 0 : index
      %get3A_136 = tpu.vector_load %arg7[%get3A_134, %get3A_135] {strides = array<i32>} : memref<288x256xf32, #tpu.memory_space<vmem>>, vector<1x16xf32>,
      %get3A_137 = vector.shape_cast %get3A_136 : vector<1x16xf32> to vector<16xf32>
      %add3A_138 = arith.constant 1.000000e+00 : f32
      %add3A_139 = vector.broadcast %add3A_138 : f32 to vector<16xf32>
      %add3A_140 = arith.addf %get3A_137, %add3A_139 : vector<16xf32>
      %mul3A_141 = arith.mulf %get3A_131, %add3A_140 : vector<16xf32>
      %swap3A = arith.index_cast %scan3A_127 : i32 to index
      %swap3A_142 = arith.constant 0 : index
      %swap3A_143 = tpu.vector_load %arg8[%swap3A, %swap3A_142] {strides = array<i32>} : memref<96x256xf32, #tpu.memory_space<vmem>>, vector<1x16xf32>,
      %swap3A_144 = vector.shape_cast %swap3A_143 : vector<1x16xf32> to vector<16xf32>
      %swap3A_145 = vector.shape_cast %mul3A_141 : vector<16xf32> to vector<1x16xf32>
      tpu.vector_store %arg8[%swap3A, %swap3A_142], %swap3A_145 {strides = array<i32>} : memref<96x256xf32, #tpu.memory_space<vmem>>, vector<1x16xf32>,
      %get3A_146 = arith.index_cast %scan3A_127 : i32 to index
      %get3A_147 = arith.constant 16 : index
      %get3A_148 = tpu.vector_load %arg8[%get3A_146, %get3A_147] {strides = array<i32>} : memref<96x256xf32, #tpu.memory_space<vmem>>, vector<1x16xf32>,
      %get3A_149 = vector.shape_cast %get3A_148 : vector<1x16xf32> to vector<16xf32>
      %add3A_150 = arith.constant 0 : i32
      %add3A_151 = arith.addi %add3A_150, %scan3A_127 : i32
      %get3A_152 = arith.index_cast %add3A_151 : i32 to index
      %get3A_153 = arith.constant 16 : index
      %get3A_154 = tpu.vector_load %arg7[%get3A_152, %get3A_153] {strides = array<i32>} : memref<288x256xf32, #tpu.memory_space<vmem>>, vector<1x16xf32>,
      %get3A_155 = vector.shape_cast %get3A_154 : vector<1x16xf32> to vector<16xf32>
      %add3A_156 = arith.constant 1.000000e+00 : f32
      %add3A_157 = vector.broadcast %add3A_156 : f32 to vector<16xf32>
      %add3A_158 = arith.addf %get3A_155, %add3A_157 : vector<16xf32>
      %mul3A_159 = arith.mulf %get3A_149, %add3A_158 : vector<16xf32>
      %swap3A_160 = arith.index_cast %scan3A_127 : i32 to index
      %swap3A_161 = arith.constant 16 : index
      %swap3A_162 = tpu.vector_load %arg8[%swap3A_160, %swap3A_161] {strides = array<i32>} : memref<96x256xf32, #tpu.memory_space<vmem>>, vector<1x16xf32>,
      %swap3A_163 = vector.shape_cast %swap3A_162 : vector<1x16xf32> to vector<16xf32>
      %swap3A_164 = vector.shape_cast %mul3A_159 : vector<16xf32> to vector<1x16xf32>
      tpu.vector_store %arg8[%swap3A_160, %swap3A_161], %swap3A_164 {strides = array<i32>} : memref<96x256xf32, #tpu.memory_space<vmem>>, vector<1x16xf32>,
      %get3A_165 = arith.index_cast %scan3A_127 : i32 to index
      %get3A_166 = arith.constant 32 : index
      %get3A_167 = tpu.vector_load %arg8[%get3A_165, %get3A_166] {strides = array<i32>} : memref<96x256xf32, #tpu.memory_space<vmem>>, vector<1x16xf32>,
      %get3A_168 = vector.shape_cast %get3A_167 : vector<1x16xf32> to vector<16xf32>
      %add3A_169 = arith.constant 0 : i32
      %add3A_170 = arith.addi %add3A_169, %scan3A_127 : i32
      %get3A_171 = arith.index_cast %add3A_170 : i32 to index
      %get3A_172 = arith.constant 32 : index
      %get3A_173 = tpu.vector_load %arg7[%get3A_171, %get3A_172] {strides = array<i32>} : memref<288x256xf32, #tpu.memory_space<vmem>>, vector<1x16xf32>,
      %get3A_174 = vector.shape_cast %get3A_173 : vector<1x16xf32> to vector<16xf32>
      %add3A_175 = arith.constant 1.000000e+00 : f32
      %add3A_176 = vector.broadcast %add3A_175 : f32 to vector<16xf32>
      %add3A_177 = arith.addf %get3A_174, %add3A_176 : vector<16xf32>
      %mul3A_178 = arith.mulf %get3A_168, %add3A_177 : vector<16xf32>
      %swap3A_179 = arith.index_cast %scan3A_127 : i32 to index
      %swap3A_180 = arith.constant 32 : index
      %swap3A_181 = tpu.vector_load %arg8[%swap3A_179, %swap3A_180] {strides = array<i32>} : memref<96x256xf32, #tpu.memory_space<vmem>>, vector<1x16xf32>,
      %swap3A_182 = vector.shape_cast %swap3A_181 : vector<1x16xf32> to vector<16xf32>
      %swap3A_183 = vector.shape_cast %mul3A_178 : vector<16xf32> to vector<1x16xf32>
      tpu.vector_store %arg8[%swap3A_179, %swap3A_180], %swap3A_183 {strides = array<i32>} : memref<96x256xf32, #tpu.memory_space<vmem>>, vector<1x16xf32>,
      %get3A_184 = arith.index_cast %scan3A_127 : i32 to index
      %get3A_185 = arith.constant 48 : index
      %get3A_186 = tpu.vector_load %arg8[%get3A_184, %get3A_185] {strides = array<i32>} : memref<96x256xf32, #tpu.memory_space<vmem>>, vector<1x16xf32>,
      %get3A_187 = vector.shape_cast %get3A_186 : vector<1x16xf32> to vector<16xf32>
      %add3A_188 = arith.constant 0 : i32
      %add3A_189 = arith.addi %add3A_188, %scan3A_127 : i32
      %get3A_190 = arith.index_cast %add3A_189 : i32 to index
      %get3A_191 = arith.constant 48 : index
      %get3A_192 = tpu.vector_load %arg7[%get3A_190, %get3A_191] {strides = array<i32>} : memref<288x256xf32, #tpu.memory_space<vmem>>, vector<1x16xf32>,
      %get3A_193 = vector.shape_cast %get3A_192 : vector<1x16xf32> to vector<16xf32>
      %add3A_194 = arith.constant 1.000000e+00 : f32
      %add3A_195 = vector.broadcast %add3A_194 : f32 to vector<16xf32>
      %add3A_196 = arith.addf %get3A_193, %add3A_195 : vector<16xf32>
      %mul3A_197 = arith.mulf %get3A_187, %add3A_196 : vector<16xf32>
      %swap3A_198 = arith.index_cast %scan3A_127 : i32 to index
      %swap3A_199 = arith.constant 48 : index
      %swap3A_200 = tpu.vector_load %arg8[%swap3A_198, %swap3A_199] {strides = array<i32>} : memref<96x256xf32, #tpu.memory_space<vmem>>, vector<1x16xf32>,
      %swap3A_201 = vector.shape_cast %swap3A_200 : vector<1x16xf32> to vector<16xf32>
      %swap3A_202 = vector.shape_cast %mul3A_197 : vector<16xf32> to vector<1x16xf32>
      tpu.vector_store %arg8[%swap3A_198, %swap3A_199], %swap3A_202 {strides = array<i32>} : memref<96x256xf32, #tpu.memory_space<vmem>>, vector<1x16xf32>,
      %get3A_203 = arith.index_cast %scan3A_127 : i32 to index
      %get3A_204 = arith.constant 64 : index
      %get3A_205 = tpu.vector_load %arg8[%get3A_203, %get3A_204] {strides = array<i32>} : memref<96x256xf32, #tpu.memory_space<vmem>>, vector<1x16xf32>,
      %get3A_206 = vector.shape_cast %get3A_205 : vector<1x16xf32> to vector<16xf32>
      %add3A_207 = arith.constant 0 : i32
      %add3A_208 = arith.addi %add3A_207, %scan3A_127 : i32
      %get3A_209 = arith.index_cast %add3A_208 : i32 to index
      %get3A_210 = arith.constant 64 : index
      %get3A_211 = tpu.vector_load %arg7[%get3A_209, %get3A_210] {strides = array<i32>} : memref<288x256xf32, #tpu.memory_space<vmem>>, vector<1x16xf32>,
      %get3A_212 = vector.shape_cast %get3A_211 : vector<1x16xf32> to vector<16xf32>
      %add3A_213 = arith.constant 1.000000e+00 : f32
      %add3A_214 = vector.broadcast %add3A_213 : f32 to vector<16xf32>
      %add3A_215 = arith.addf %get3A_212, %add3A_214 : vector<16xf32>
      %mul3A_216 = arith.mulf %get3A_206, %add3A_215 : vector<16xf32>
      %swap3A_217 = arith.index_cast %scan3A_127 : i32 to index
      %swap3A_218 = arith.constant 64 : index
      %swap3A_219 = tpu.vector_load %arg8[%swap3A_217, %swap3A_218] {strides = array<i32>} : memref<96x256xf32, #tpu.memory_space<vmem>>, vector<1x16xf32>,
      %swap3A_220 = vector.shape_cast %swap3A_219 : vector<1x16xf32> to vector<16xf32>
      %swap3A_221 = vector.shape_cast %mul3A_216 : vector<16xf32> to vector<1x16xf32>
      tpu.vector_store %arg8[%swap3A_217, %swap3A_218], %swap3A_221 {strides = array<i32>} : memref<96x256xf32, #tpu.memory_space<vmem>>, vector<1x16xf32>,
      %get3A_222 = arith.index_cast %scan3A_127 : i32 to index
      %get3A_223 = arith.constant 80 : index
      %get3A_224 = tpu.vector_load %arg8[%get3A_222, %get3A_223] {strides = array<i32>} : memref<96x256xf32, #tpu.memory_space<vmem>>, vector<1x16xf32>,
      %get3A_225 = vector.shape_cast %get3A_224 : vector<1x16xf32> to vector<16xf32>
      %add3A_226 = arith.constant 0 : i32
      %add3A_227 = arith.addi %add3A_226, %scan3A_127 : i32
      %get3A_228 = arith.index_cast %add3A_227 : i32 to index
      %get3A_229 = arith.constant 80 : index
      %get3A_230 = tpu.vector_load %arg7[%get3A_228, %get3A_229] {strides = array<i32>} : memref<288x256xf32, #tpu.memory_space<vmem>>, vector<1x16xf32>,
      %get3A_231 = vector.shape_cast %get3A_230 : vector<1x16xf32> to vector<16xf32>
      %add3A_232 = arith.constant 1.000000e+00 : f32
      %add3A_233 = vector.broadcast %add3A_232 : f32 to vector<16xf32>
      %add3A_234 = arith.addf %get3A_231, %add3A_233 : vector<16xf32>
      %mul3A_235 = arith.mulf %get3A_225, %add3A_234 : vector<16xf32>
      %swap3A_236 = arith.index_cast %scan3A_127 : i32 to index
      %swap3A_237 = arith.constant 80 : index
      %swap3A_238 = tpu.vector_load %arg8[%swap3A_236, %swap3A_237] {strides = array<i32>} : memref<96x256xf32, #tpu.memory_space<vmem>>, vector<1x16xf32>,
      %swap3A_239 = vector.shape_cast %swap3A_238 : vector<1x16xf32> to vector<16xf32>
      %swap3A_240 = vector.shape_cast %mul3A_235 : vector<16xf32> to vector<1x16xf32>
      tpu.vector_store %arg8[%swap3A_236, %swap3A_237], %swap3A_240 {strides = array<i32>} : memref<96x256xf32, #tpu.memory_space<vmem>>, vector<1x16xf32>,
      %get3A_241 = arith.index_cast %scan3A_127 : i32 to index
      %get3A_242 = arith.constant 96 : index
      %get3A_243 = tpu.vector_load %arg8[%get3A_241, %get3A_242] {strides = array<i32>} : memref<96x256xf32, #tpu.memory_space<vmem>>, vector<1x16xf32>,
      %get3A_244 = vector.shape_cast %get3A_243 : vector<1x16xf32> to vector<16xf32>
      %add3A_245 = arith.constant 0 : i32
      %add3A_246 = arith.addi %add3A_245, %scan3A_127 : i32
      %get3A_247 = arith.index_cast %add3A_246 : i32 to index
      %get3A_248 = arith.constant 96 : index
      %get3A_249 = tpu.vector_load %arg7[%get3A_247, %get3A_248] {strides = array<i32>} : memref<288x256xf32, #tpu.memory_space<vmem>>, vector<1x16xf32>,
      %get3A_250 = vector.shape_cast %get3A_249 : vector<1x16xf32> to vector<16xf32>
      %add3A_251 = arith.constant 1.000000e+00 : f32
      %add3A_252 = vector.broadcast %add3A_251 : f32 to vector<16xf32>
      %add3A_253 = arith.addf %get3A_250, %add3A_252 : vector<16xf32>
      %mul3A_254 = arith.mulf %get3A_244, %add3A_253 : vector<16xf32>
      %swap3A_255 = arith.index_cast %scan3A_127 : i32 to index
      %swap3A_256 = arith.constant 96 : index
      %swap3A_257 = tpu.vector_load %arg8[%swap3A_255, %swap3A_256] {strides = array<i32>} : memref<96x256xf32, #tpu.memory_space<vmem>>, vector<1x16xf32>,
      %swap3A_258 = vector.shape_cast %swap3A_257 : vector<1x16xf32> to vector<16xf32>
      %swap3A_259 = vector.shape_cast %mul3A_254 : vector<16xf32> to vector<1x16xf32>
      tpu.vector_store %arg8[%swap3A_255, %swap3A_256], %swap3A_259 {strides = array<i32>} : memref<96x256xf32, #tpu.memory_space<vmem>>, vector<1x16xf32>,
      %get3A_260 = arith.index_cast %scan3A_127 : i32 to index
      %get3A_261 = arith.constant 112 : index
      %get3A_262 = tpu.vector_load %arg8[%get3A_260, %get3A_261] {strides = array<i32>} : memref<96x256xf32, #tpu.memory_space<vmem>>, vector<1x16xf32>,
      %get3A_263 = vector.shape_cast %get3A_262 : vector<1x16xf32> to vector<16xf32>
      %add3A_264 = arith.constant 0 : i32
      %add3A_265 = arith.addi %add3A_264, %scan3A_127 : i32
      %get3A_266 = arith.index_cast %add3A_265 : i32 to index
      %get3A_267 = arith.constant 112 : index
      %get3A_268 = tpu.vector_load %arg7[%get3A_266, %get3A_267] {strides = array<i32>} : memref<288x256xf32, #tpu.memory_space<vmem>>, vector<1x16xf32>,
      %get3A_269 = vector.shape_cast %get3A_268 : vector<1x16xf32> to vector<16xf32>
      %add3A_270 = arith.constant 1.000000e+00 : f32
      %add3A_271 = vector.broadcast %add3A_270 : f32 to vector<16xf32>
      %add3A_272 = arith.addf %get3A_269, %add3A_271 : vector<16xf32>
      %mul3A_273 = arith.mulf %get3A_263, %add3A_272 : vector<16xf32>
      %swap3A_274 = arith.index_cast %scan3A_127 : i32 to index
      %swap3A_275 = arith.constant 112 : index
      %swap3A_276 = tpu.vector_load %arg8[%swap3A_274, %swap3A_275] {strides = array<i32>} : memref<96x256xf32, #tpu.memory_space<vmem>>, vector<1x16xf32>,
      %swap3A_277 = vector.shape_cast %swap3A_276 : vector<1x16xf32> to vector<16xf32>
      %swap3A_278 = vector.shape_cast %mul3A_273 : vector<16xf32> to vector<1x16xf32>
      tpu.vector_store %arg8[%swap3A_274, %swap3A_275], %swap3A_278 {strides = array<i32>} : memref<96x256xf32, #tpu.memory_space<vmem>>, vector<1x16xf32>,
      %get3A_279 = arith.index_cast %scan3A_127 : i32 to index
      %get3A_280 = arith.constant 128 : index
      %get3A_281 = tpu.vector_load %arg8[%get3A_279, %get3A_280] {strides = array<i32>} : memref<96x256xf32, #tpu.memory_space<vmem>>, vector<1x16xf32>,
      %get3A_282 = vector.shape_cast %get3A_281 : vector<1x16xf32> to vector<16xf32>
      %add3A_283 = arith.constant 0 : i32
      %add3A_284 = arith.addi %add3A_283, %scan3A_127 : i32
      %get3A_285 = arith.index_cast %add3A_284 : i32 to index
      %get3A_286 = arith.constant 128 : index
      %get3A_287 = tpu.vector_load %arg7[%get3A_285, %get3A_286] {strides = array<i32>} : memref<288x256xf32, #tpu.memory_space<vmem>>, vector<1x16xf32>,
      %get3A_288 = vector.shape_cast %get3A_287 : vector<1x16xf32> to vector<16xf32>
      %add3A_289 = arith.constant 1.000000e+00 : f32
      %add3A_290 = vector.broadcast %add3A_289 : f32 to vector<16xf32>
      %add3A_291 = arith.addf %get3A_288, %add3A_290 : vector<16xf32>
      %mul3A_292 = arith.mulf %get3A_282, %add3A_291 : vector<16xf32>
      %swap3A_293 = arith.index_cast %scan3A_127 : i32 to index
      %swap3A_294 = arith.constant 128 : index
      %swap3A_295 = tpu.vector_load %arg8[%swap3A_293, %swap3A_294] {strides = array<i32>} : memref<96x256xf32, #tpu.memory_space<vmem>>, vector<1x16xf32>,
      %swap3A_296 = vector.shape_cast %swap3A_295 : vector<1x16xf32> to vector<16xf32>
      %swap3A_297 = vector.shape_cast %mul3A_292 : vector<16xf32> to vector<1x16xf32>
      tpu.vector_store %arg8[%swap3A_293, %swap3A_294], %swap3A_297 {strides = array<i32>} : memref<96x256xf32, #tpu.memory_space<vmem>>, vector<1x16xf32>,
      %get3A_298 = arith.index_cast %scan3A_127 : i32 to index
      %get3A_299 = arith.constant 144 : index
      %get3A_300 = tpu.vector_load %arg8[%get3A_298, %get3A_299] {strides = array<i32>} : memref<96x256xf32, #tpu.memory_space<vmem>>, vector<1x16xf32>,
      %get3A_301 = vector.shape_cast %get3A_300 : vector<1x16xf32> to vector<16xf32>
      %add3A_302 = arith.constant 0 : i32
      %add3A_303 = arith.addi %add3A_302, %scan3A_127 : i32
      %get3A_304 = arith.index_cast %add3A_303 : i32 to index
      %get3A_305 = arith.constant 144 : index
      %get3A_306 = tpu.vector_load %arg7[%get3A_304, %get3A_305] {strides = array<i32>} : memref<288x256xf32, #tpu.memory_space<vmem>>, vector<1x16xf32>,
      %get3A_307 = vector.shape_cast %get3A_306 : vector<1x16xf32> to vector<16xf32>
      %add3A_308 = arith.constant 1.000000e+00 : f32
      %add3A_309 = vector.broadcast %add3A_308 : f32 to vector<16xf32>
      %add3A_310 = arith.addf %get3A_307, %add3A_309 : vector<16xf32>
      %mul3A_311 = arith.mulf %get3A_301, %add3A_310 : vector<16xf32>
      %swap3A_312 = arith.index_cast %scan3A_127 : i32 to index
      %swap3A_313 = arith.constant 144 : index
      %swap3A_314 = tpu.vector_load %arg8[%swap3A_312, %swap3A_313] {strides = array<i32>} : memref<96x256xf32, #tpu.memory_space<vmem>>, vector<1x16xf32>,
      %swap3A_315 = vector.shape_cast %swap3A_314 : vector<1x16xf32> to vector<16xf32>
      %swap3A_316 = vector.shape_cast %mul3A_311 : vector<16xf32> to vector<1x16xf32>
      tpu.vector_store %arg8[%swap3A_312, %swap3A_313], %swap3A_316 {strides = array<i32>} : memref<96x256xf32, #tpu.memory_space<vmem>>, vector<1x16xf32>,
      %get3A_317 = arith.index_cast %scan3A_127 : i32 to index
      %get3A_318 = arith.constant 160 : index
      %get3A_319 = tpu.vector_load %arg8[%get3A_317, %get3A_318] {strides = array<i32>} : memref<96x256xf32, #tpu.memory_space<vmem>>, vector<1x16xf32>,
      %get3A_320 = vector.shape_cast %get3A_319 : vector<1x16xf32> to vector<16xf32>
      %add3A_321 = arith.constant 0 : i32
      %add3A_322 = arith.addi %add3A_321, %scan3A_127 : i32
      %get3A_323 = arith.index_cast %add3A_322 : i32 to index
      %get3A_324 = arith.constant 160 : index
      %get3A_325 = tpu.vector_load %arg7[%get3A_323, %get3A_324] {strides = array<i32>} : memref<288x256xf32, #tpu.memory_space<vmem>>, vector<1x16xf32>,
      %get3A_326 = vector.shape_cast %get3A_325 : vector<1x16xf32> to vector<16xf32>
      %add3A_327 = arith.constant 1.000000e+00 : f32
      %add3A_328 = vector.broadcast %add3A_327 : f32 to vector<16xf32>
      %add3A_329 = arith.addf %get3A_326, %add3A_328 : vector<16xf32>
      %mul3A_330 = arith.mulf %get3A_320, %add3A_329 : vector<16xf32>
      %swap3A_331 = arith.index_cast %scan3A_127 : i32 to index
      %swap3A_332 = arith.constant 160 : index
      %swap3A_333 = tpu.vector_load %arg8[%swap3A_331, %swap3A_332] {strides = array<i32>} : memref<96x256xf32, #tpu.memory_space<vmem>>, vector<1x16xf32>,
      %swap3A_334 = vector.shape_cast %swap3A_333 : vector<1x16xf32> to vector<16xf32>
      %swap3A_335 = vector.shape_cast %mul3A_330 : vector<16xf32> to vector<1x16xf32>
      tpu.vector_store %arg8[%swap3A_331, %swap3A_332], %swap3A_335 {strides = array<i32>} : memref<96x256xf32, #tpu.memory_space<vmem>>, vector<1x16xf32>,
      %get3A_336 = arith.index_cast %scan3A_127 : i32 to index
      %get3A_337 = arith.constant 176 : index
      %get3A_338 = tpu.vector_load %arg8[%get3A_336, %get3A_337] {strides = array<i32>} : memref<96x256xf32, #tpu.memory_space<vmem>>, vector<1x16xf32>,
      %get3A_339 = vector.shape_cast %get3A_338 : vector<1x16xf32> to vector<16xf32>
      %add3A_340 = arith.constant 0 : i32
      %add3A_341 = arith.addi %add3A_340, %scan3A_127 : i32
      %get3A_342 = arith.index_cast %add3A_341 : i32 to index
      %get3A_343 = arith.constant 176 : index
      %get3A_344 = tpu.vector_load %arg7[%get3A_342, %get3A_343] {strides = array<i32>} : memref<288x256xf32, #tpu.memory_space<vmem>>, vector<1x16xf32>,
      %get3A_345 = vector.shape_cast %get3A_344 : vector<1x16xf32> to vector<16xf32>
      %add3A_346 = arith.constant 1.000000e+00 : f32
      %add3A_347 = vector.broadcast %add3A_346 : f32 to vector<16xf32>
      %add3A_348 = arith.addf %get3A_345, %add3A_347 : vector<16xf32>
      %mul3A_349 = arith.mulf %get3A_339, %add3A_348 : vector<16xf32>
      %swap3A_350 = arith.index_cast %scan3A_127 : i32 to index
      %swap3A_351 = arith.constant 176 : index
      %swap3A_352 = tpu.vector_load %arg8[%swap3A_350, %swap3A_351] {strides = array<i32>} : memref<96x256xf32, #tpu.memory_space<vmem>>, vector<1x16xf32>,
      %swap3A_353 = vector.shape_cast %swap3A_352 : vector<1x16xf32> to vector<16xf32>
      %swap3A_354 = vector.shape_cast %mul3A_349 : vector<16xf32> to vector<1x16xf32>
      tpu.vector_store %arg8[%swap3A_350, %swap3A_351], %swap3A_354 {strides = array<i32>} : memref<96x256xf32, #tpu.memory_space<vmem>>, vector<1x16xf32>,
      %get3A_355 = arith.index_cast %scan3A_127 : i32 to index
      %get3A_356 = arith.constant 192 : index
      %get3A_357 = tpu.vector_load %arg8[%get3A_355, %get3A_356] {strides = array<i32>} : memref<96x256xf32, #tpu.memory_space<vmem>>, vector<1x16xf32>,
      %get3A_358 = vector.shape_cast %get3A_357 : vector<1x16xf32> to vector<16xf32>
      %add3A_359 = arith.constant 0 : i32
      %add3A_360 = arith.addi %add3A_359, %scan3A_127 : i32
      %get3A_361 = arith.index_cast %add3A_360 : i32 to index
      %get3A_362 = arith.constant 192 : index
      %get3A_363 = tpu.vector_load %arg7[%get3A_361, %get3A_362] {strides = array<i32>} : memref<288x256xf32, #tpu.memory_space<vmem>>, vector<1x16xf32>,
      %get3A_364 = vector.shape_cast %get3A_363 : vector<1x16xf32> to vector<16xf32>
      %add3A_365 = arith.constant 1.000000e+00 : f32
      %add3A_366 = vector.broadcast %add3A_365 : f32 to vector<16xf32>
      %add3A_367 = arith.addf %get3A_364, %add3A_366 : vector<16xf32>
      %mul3A_368 = arith.mulf %get3A_358, %add3A_367 : vector<16xf32>
      %swap3A_369 = arith.index_cast %scan3A_127 : i32 to index
      %swap3A_370 = arith.constant 192 : index
      %swap3A_371 = tpu.vector_load %arg8[%swap3A_369, %swap3A_370] {strides = array<i32>} : memref<96x256xf32, #tpu.memory_space<vmem>>, vector<1x16xf32>,
      %swap3A_372 = vector.shape_cast %swap3A_371 : vector<1x16xf32> to vector<16xf32>
      %swap3A_373 = vector.shape_cast %mul3A_368 : vector<16xf32> to vector<1x16xf32>
      tpu.vector_store %arg8[%swap3A_369, %swap3A_370], %swap3A_373 {strides = array<i32>} : memref<96x256xf32, #tpu.memory_space<vmem>>, vector<1x16xf32>,
      %get3A_374 = arith.index_cast %scan3A_127 : i32 to index
      %get3A_375 = arith.constant 208 : index
      %get3A_376 = tpu.vector_load %arg8[%get3A_374, %get3A_375] {strides = array<i32>} : memref<96x256xf32, #tpu.memory_space<vmem>>, vector<1x16xf32>,
      %get3A_377 = vector.shape_cast %get3A_376 : vector<1x16xf32> to vector<16xf32>
      %add3A_378 = arith.constant 0 : i32
      %add3A_379 = arith.addi %add3A_378, %scan3A_127 : i32
      %get3A_380 = arith.index_cast %add3A_379 : i32 to index
      %get3A_381 = arith.constant 208 : index
      %get3A_382 = tpu.vector_load %arg7[%get3A_380, %get3A_381] {strides = array<i32>} : memref<288x256xf32, #tpu.memory_space<vmem>>, vector<1x16xf32>,
      %get3A_383 = vector.shape_cast %get3A_382 : vector<1x16xf32> to vector<16xf32>
      %add3A_384 = arith.constant 1.000000e+00 : f32
      %add3A_385 = vector.broadcast %add3A_384 : f32 to vector<16xf32>
      %add3A_386 = arith.addf %get3A_383, %add3A_385 : vector<16xf32>
      %mul3A_387 = arith.mulf %get3A_377, %add3A_386 : vector<16xf32>
      %swap3A_388 = arith.index_cast %scan3A_127 : i32 to index
      %swap3A_389 = arith.constant 208 : index
      %swap3A_390 = tpu.vector_load %arg8[%swap3A_388, %swap3A_389] {strides = array<i32>} : memref<96x256xf32, #tpu.memory_space<vmem>>, vector<1x16xf32>,
      %swap3A_391 = vector.shape_cast %swap3A_390 : vector<1x16xf32> to vector<16xf32>
      %swap3A_392 = vector.shape_cast %mul3A_387 : vector<16xf32> to vector<1x16xf32>
      tpu.vector_store %arg8[%swap3A_388, %swap3A_389], %swap3A_392 {strides = array<i32>} : memref<96x256xf32, #tpu.memory_space<vmem>>, vector<1x16xf32>,
      %get3A_393 = arith.index_cast %scan3A_127 : i32 to index
      %get3A_394 = arith.constant 224 : index
      %get3A_395 = tpu.vector_load %arg8[%get3A_393, %get3A_394] {strides = array<i32>} : memref<96x256xf32, #tpu.memory_space<vmem>>, vector<1x16xf32>,
      %get3A_396 = vector.shape_cast %get3A_395 : vector<1x16xf32> to vector<16xf32>
      %add3A_397 = arith.constant 0 : i32
      %add3A_398 = arith.addi %add3A_397, %scan3A_127 : i32
      %get3A_399 = arith.index_cast %add3A_398 : i32 to index
      %get3A_400 = arith.constant 224 : index
      %get3A_401 = tpu.vector_load %arg7[%get3A_399, %get3A_400] {strides = array<i32>} : memref<288x256xf32, #tpu.memory_space<vmem>>, vector<1x16xf32>,
      %get3A_402 = vector.shape_cast %get3A_401 : vector<1x16xf32> to vector<16xf32>
      %add3A_403 = arith.constant 1.000000e+00 : f32
      %add3A_404 = vector.broadcast %add3A_403 : f32 to vector<16xf32>
      %add3A_405 = arith.addf %get3A_402, %add3A_404 : vector<16xf32>
      %mul3A_406 = arith.mulf %get3A_396, %add3A_405 : vector<16xf32>
      %swap3A_407 = arith.index_cast %scan3A_127 : i32 to index
      %swap3A_408 = arith.constant 224 : index
      %swap3A_409 = tpu.vector_load %arg8[%swap3A_407, %swap3A_408] {strides = array<i32>} : memref<96x256xf32, #tpu.memory_space<vmem>>, vector<1x16xf32>,
      %swap3A_410 = vector.shape_cast %swap3A_409 : vector<1x16xf32> to vector<16xf32>
      %swap3A_411 = vector.shape_cast %mul3A_406 : vector<16xf32> to vector<1x16xf32>
      tpu.vector_store %arg8[%swap3A_407, %swap3A_408], %swap3A_411 {strides = array<i32>} : memref<96x256xf32, #tpu.memory_space<vmem>>, vector<1x16xf32>,
      %get3A_412 = arith.index_cast %scan3A_127 : i32 to index
      %get3A_413 = arith.constant 240 : index
      %get3A_414 = tpu.vector_load %arg8[%get3A_412, %get3A_413] {strides = array<i32>} : memref<96x256xf32, #tpu.memory_space<vmem>>, vector<1x16xf32>,
      %get3A_415 = vector.shape_cast %get3A_414 : vector<1x16xf32> to vector<16xf32>
      %add3A_416 = arith.constant 0 : i32
      %add3A_417 = arith.addi %add3A_416, %scan3A_127 : i32
      %get3A_418 = arith.index_cast %add3A_417 : i32 to index
      %get3A_419 = arith.constant 240 : index
      %get3A_420 = tpu.vector_load %arg7[%get3A_418, %get3A_419] {strides = array<i32>} : memref<288x256xf32, #tpu.memory_space<vmem>>, vector<1x16xf32>,
      %get3A_421 = vector.shape_cast %get3A_420 : vector<1x16xf32> to vector<16xf32>
      %add3A_422 = arith.constant 1.000000e+00 : f32
      %add3A_423 = vector.broadcast %add3A_422 : f32 to vector<16xf32>
      %add3A_424 = arith.addf %get3A_421, %add3A_423 : vector<16xf32>
      %mul3A_425 = arith.mulf %get3A_415, %add3A_424 : vector<16xf32>
      %swap3A_426 = arith.index_cast %scan3A_127 : i32 to index
      %swap3A_427 = arith.constant 240 : index
      %swap3A_428 = tpu.vector_load %arg8[%swap3A_426, %swap3A_427] {strides = array<i32>} : memref<96x256xf32, #tpu.memory_space<vmem>>, vector<1x16xf32>,
      %swap3A_429 = vector.shape_cast %swap3A_428 : vector<1x16xf32> to vector<16xf32>
      %swap3A_430 = vector.shape_cast %mul3A_425 : vector<16xf32> to vector<1x16xf32>
      tpu.vector_store %arg8[%swap3A_426, %swap3A_427], %swap3A_430 {strides = array<i32>} : memref<96x256xf32, #tpu.memory_space<vmem>>, vector<1x16xf32>,
      %scan3A_431 = arith.constant 0 : i32
      scf.yield %scan3A_431 : i32
    }
    %scan3A_52 = arith.constant 96 : i32
    %add3A_53 = arith.constant 0 : i32
    %add3A_54 = arith.addi %mul3A_2, %add3A_53 : i32
    %dma_start3A_55 = arith.constant 0 : i32
    %dma_start3A_56 = tpu.memref_slice %arg5[%add3A_54, %dma_start3A_55] : memref<9216x256xf32, #tpu.memory_space<hbm>> -> memref<96x256xf32, #tpu.memory_space<hbm>>
    %dma_start3A_57 = arith.constant 0 : i32
    %dma_start3A_58 = tpu.memref_slice %arg5[%add3A_54, %dma_start3A_57] : memref<9216x256xf32, #tpu.memory_space<hbm>> -> memref<96x256xf32, #tpu.memory_space<hbm>>
    tpu.enqueue_dma source(%arg8 : memref<96x256xf32, #tpu.memory_space<vmem>>) target(%dma_start3A_58 : memref<96x256xf32, #tpu.memory_space<hbm>>) target_semaphore(%arg15 : memref<!tpu.dma_semaphore, #tpu.memory_space<semaphore_mem>>)
    %dma_wait3A_59 = arith.constant 0 : i32
    %dma_wait3A_60 = tpu.memref_slice %arg5[%add3A_54, %dma_wait3A_59] : memref<9216x256xf32, #tpu.memory_space<hbm>> -> memref<96x256xf32, #tpu.memory_space<hbm>>
    %dma_wait3A_61 = arith.constant 0 : i32
    %dma_wait3A_62 = tpu.memref_slice %arg5[%add3A_54, %dma_wait3A_61] : memref<9216x256xf32, #tpu.memory_space<hbm>> -> memref<96x256xf32, #tpu.memory_space<hbm>>
    tpu.wait_dma2 semaphore(%arg15 : memref<!tpu.dma_semaphore, #tpu.memory_space<semaphore_mem>>) src(%arg8 : memref<96x256xf32, #tpu.memory_space<vmem>>) dst(%dma_wait3A_62 : memref<96x256xf32, #tpu.memory_space<hbm>>)
    %add3A_63 = arith.constant 192 : i32
    %add3A_64 = arith.addi %mul3A_2, %add3A_63 : i32
    %dma_start3A_65 = arith.constant 0 : i32
    %dma_start3A_66 = tpu.memref_slice %arg3[%add3A_64, %dma_start3A_65] : memref<9216x256xf32, #tpu.memory_space<hbm>> -> memref<96x256xf32, #tpu.memory_space<hbm>>
    %dma_start3A_67 = arith.constant 0 : i32
    %dma_start3A_68 = tpu.memref_slice %arg3[%add3A_64, %dma_start3A_67] : memref<9216x256xf32, #tpu.memory_space<hbm>> -> memref<96x256xf32, #tpu.memory_space<hbm>>
    tpu.enqueue_dma source(%dma_start3A_68 : memref<96x256xf32, #tpu.memory_space<hbm>>) target(%arg8 : memref<96x256xf32, #tpu.memory_space<vmem>>) target_semaphore(%arg13 : memref<!tpu.dma_semaphore, #tpu.memory_space<semaphore_mem>>)
    %dma_wait3A_69 = arith.constant 96 : i32
    %dma_wait3A_70 = arith.constant 0 : i32
    %dma_wait3A_71 = tpu.memref_slice %arg7[%dma_wait3A_69, %dma_wait3A_70] : memref<288x256xf32, #tpu.memory_space<vmem>> -> memref<96x256xf32, #tpu.memory_space<vmem>>
    %dma_wait3A_72 = arith.constant 96 : i32
    %dma_wait3A_73 = tpu.memref_slice %arg6[%dma_wait3A_72] : memref<288xi32, #tpu.memory_space<vmem>> -> memref<96xi32, #tpu.memory_space<vmem>>
    %dma_wait3A_74 = arith.constant 0 : i32
    %dma_wait3A_75 = arith.constant 0 : i32
    %dma_wait3A_76 = tpu.memref_slice %arg4[%dma_wait3A_74, %dma_wait3A_75] : memref<1024x256xf32, #tpu.memory_space<hbm>> -> memref<1024x256xf32, #tpu.memory_space<hbm>>
    tpu.wait_indirect_dma semaphore(%arg11 : memref<!tpu.dma_semaphore, #tpu.memory_space<semaphore_mem>>) src(%dma_wait3A_76 : memref<1024x256xf32, #tpu.memory_space<hbm>>) dst(%dma_wait3A_71 : memref<96x256xf32, #tpu.memory_space<vmem>>)
    %dma_wait3A_77 = arith.constant 0 : i32
    %dma_wait3A_78 = tpu.memref_slice %arg3[%add3A_31, %dma_wait3A_77] : memref<9216x256xf32, #tpu.memory_space<hbm>> -> memref<96x256xf32, #tpu.memory_space<hbm>>
    %dma_wait3A_79 = arith.constant 0 : i32
    %dma_wait3A_80 = tpu.memref_slice %arg3[%add3A_31, %dma_wait3A_79] : memref<9216x256xf32, #tpu.memory_space<hbm>> -> memref<96x256xf32, #tpu.memory_space<hbm>>
    tpu.wait_dma2 semaphore(%arg14 : memref<!tpu.dma_semaphore, #tpu.memory_space<semaphore_mem>>) src(%dma_wait3A_80 : memref<96x256xf32, #tpu.memory_space<hbm>>) dst(%arg9 : memref<96x256xf32, #tpu.memory_space<vmem>>)
    %scan3A_81 = arith.constant 0 : i32
    %scan3A_82 = arith.constant 0 : i32
    %scan3A_83 = arith.constant 96 : i32
    %scan3A_84 = arith.addi %scan3A_82, %scan3A_83 : i32
    %scan3A_85 = arith.constant 1 : i32
    %scan3A_86 = scf.for %scan3A_127 = %scan3A_82 to %scan3A_84 step %scan3A_85 iter_args(%scan3A_128 = %scan3A_81) -> (i32)  : i32 {
      %get3A = arith.index_cast %scan3A_127 : i32 to index
      %get3A_129 = arith.constant 0 : index
      %get3A_130 = tpu.vector_load %arg9[%get3A, %get3A_129] {strides = array<i32>} : memref<96x256xf32, #tpu.memory_space<vmem>>, vector<1x16xf32>,
      %get3A_131 = vector.shape_cast %get3A_130 : vector<1x16xf32> to vector<16xf32>
      %add3A_132 = arith.constant 96 : i32
      %add3A_133 = arith.addi %add3A_132, %scan3A_127 : i32
      %get3A_134 = arith.index_cast %add3A_133 : i32 to index
      %get3A_135 = arith.constant 0 : index
      %get3A_136 = tpu.vector_load %arg7[%get3A_134, %get3A_135] {strides = array<i32>} : memref<288x256xf32, #tpu.memory_space<vmem>>, vector<1x16xf32>,
      %get3A_137 = vector.shape_cast %get3A_136 : vector<1x16xf32> to vector<16xf32>
      %add3A_138 = arith.constant 1.000000e+00 : f32
      %add3A_139 = vector.broadcast %add3A_138 : f32 to vector<16xf32>
      %add3A_140 = arith.addf %get3A_137, %add3A_139 : vector<16xf32>
      %mul3A_141 = arith.mulf %get3A_131, %add3A_140 : vector<16xf32>
      %swap3A = arith.index_cast %scan3A_127 : i32 to index
      %swap3A_142 = arith.constant 0 : index
      %swap3A_143 = tpu.vector_load %arg9[%swap3A, %swap3A_142] {strides = array<i32>} : memref<96x256xf32, #tpu.memory_space<vmem>>, vector<1x16xf32>,
      %swap3A_144 = vector.shape_cast %swap3A_143 : vector<1x16xf32> to vector<16xf32>
      %swap3A_145 = vector.shape_cast %mul3A_141 : vector<16xf32> to vector<1x16xf32>
      tpu.vector_store %arg9[%swap3A, %swap3A_142], %swap3A_145 {strides = array<i32>} : memref<96x256xf32, #tpu.memory_space<vmem>>, vector<1x16xf32>,
      %get3A_146 = arith.index_cast %scan3A_127 : i32 to index
      %get3A_147 = arith.constant 16 : index
      %get3A_148 = tpu.vector_load %arg9[%get3A_146, %get3A_147] {strides = array<i32>} : memref<96x256xf32, #tpu.memory_space<vmem>>, vector<1x16xf32>,
      %get3A_149 = vector.shape_cast %get3A_148 : vector<1x16xf32> to vector<16xf32>
      %add3A_150 = arith.constant 96 : i32
      %add3A_151 = arith.addi %add3A_150, %scan3A_127 : i32
      %get3A_152 = arith.index_cast %add3A_151 : i32 to index
      %get3A_153 = arith.constant 16 : index
      %get3A_154 = tpu.vector_load %arg7[%get3A_152, %get3A_153] {strides = array<i32>} : memref<288x256xf32, #tpu.memory_space<vmem>>, vector<1x16xf32>,
      %get3A_155 = vector.shape_cast %get3A_154 : vector<1x16xf32> to vector<16xf32>
      %add3A_156 = arith.constant 1.000000e+00 : f32
      %add3A_157 = vector.broadcast %add3A_156 : f32 to vector<16xf32>
      %add3A_158 = arith.addf %get3A_155, %add3A_157 : vector<16xf32>
      %mul3A_159 = arith.mulf %get3A_149, %add3A_158 : vector<16xf32>
      %swap3A_160 = arith.index_cast %scan3A_127 : i32 to index
      %swap3A_161 = arith.constant 16 : index
      %swap3A_162 = tpu.vector_load %arg9[%swap3A_160, %swap3A_161] {strides = array<i32>} : memref<96x256xf32, #tpu.memory_space<vmem>>, vector<1x16xf32>,
      %swap3A_163 = vector.shape_cast %swap3A_162 : vector<1x16xf32> to vector<16xf32>
      %swap3A_164 = vector.shape_cast %mul3A_159 : vector<16xf32> to vector<1x16xf32>
      tpu.vector_store %arg9[%swap3A_160, %swap3A_161], %swap3A_164 {strides = array<i32>} : memref<96x256xf32, #tpu.memory_space<vmem>>, vector<1x16xf32>,
      %get3A_165 = arith.index_cast %scan3A_127 : i32 to index
      %get3A_166 = arith.constant 32 : index
      %get3A_167 = tpu.vector_load %arg9[%get3A_165, %get3A_166] {strides = array<i32>} : memref<96x256xf32, #tpu.memory_space<vmem>>, vector<1x16xf32>,
      %get3A_168 = vector.shape_cast %get3A_167 : vector<1x16xf32> to vector<16xf32>
      %add3A_169 = arith.constant 96 : i32
      %add3A_170 = arith.addi %add3A_169, %scan3A_127 : i32
      %get3A_171 = arith.index_cast %add3A_170 : i32 to index
      %get3A_172 = arith.constant 32 : index
      %get3A_173 = tpu.vector_load %arg7[%get3A_171, %get3A_172] {strides = array<i32>} : memref<288x256xf32, #tpu.memory_space<vmem>>, vector<1x16xf32>,
      %get3A_174 = vector.shape_cast %get3A_173 : vector<1x16xf32> to vector<16xf32>
      %add3A_175 = arith.constant 1.000000e+00 : f32
      %add3A_176 = vector.broadcast %add3A_175 : f32 to vector<16xf32>
      %add3A_177 = arith.addf %get3A_174, %add3A_176 : vector<16xf32>
      %mul3A_178 = arith.mulf %get3A_168, %add3A_177 : vector<16xf32>
      %swap3A_179 = arith.index_cast %scan3A_127 : i32 to index
      %swap3A_180 = arith.constant 32 : index
      %swap3A_181 = tpu.vector_load %arg9[%swap3A_179, %swap3A_180] {strides = array<i32>} : memref<96x256xf32, #tpu.memory_space<vmem>>, vector<1x16xf32>,
      %swap3A_182 = vector.shape_cast %swap3A_181 : vector<1x16xf32> to vector<16xf32>
      %swap3A_183 = vector.shape_cast %mul3A_178 : vector<16xf32> to vector<1x16xf32>
      tpu.vector_store %arg9[%swap3A_179, %swap3A_180], %swap3A_183 {strides = array<i32>} : memref<96x256xf32, #tpu.memory_space<vmem>>, vector<1x16xf32>,
      %get3A_184 = arith.index_cast %scan3A_127 : i32 to index
      %get3A_185 = arith.constant 48 : index
      %get3A_186 = tpu.vector_load %arg9[%get3A_184, %get3A_185] {strides = array<i32>} : memref<96x256xf32, #tpu.memory_space<vmem>>, vector<1x16xf32>,
      %get3A_187 = vector.shape_cast %get3A_186 : vector<1x16xf32> to vector<16xf32>
      %add3A_188 = arith.constant 96 : i32
      %add3A_189 = arith.addi %add3A_188, %scan3A_127 : i32
      %get3A_190 = arith.index_cast %add3A_189 : i32 to index
      %get3A_191 = arith.constant 48 : index
      %get3A_192 = tpu.vector_load %arg7[%get3A_190, %get3A_191] {strides = array<i32>} : memref<288x256xf32, #tpu.memory_space<vmem>>, vector<1x16xf32>,
      %get3A_193 = vector.shape_cast %get3A_192 : vector<1x16xf32> to vector<16xf32>
      %add3A_194 = arith.constant 1.000000e+00 : f32
      %add3A_195 = vector.broadcast %add3A_194 : f32 to vector<16xf32>
      %add3A_196 = arith.addf %get3A_193, %add3A_195 : vector<16xf32>
      %mul3A_197 = arith.mulf %get3A_187, %add3A_196 : vector<16xf32>
      %swap3A_198 = arith.index_cast %scan3A_127 : i32 to index
      %swap3A_199 = arith.constant 48 : index
      %swap3A_200 = tpu.vector_load %arg9[%swap3A_198, %swap3A_199] {strides = array<i32>} : memref<96x256xf32, #tpu.memory_space<vmem>>, vector<1x16xf32>,
      %swap3A_201 = vector.shape_cast %swap3A_200 : vector<1x16xf32> to vector<16xf32>
      %swap3A_202 = vector.shape_cast %mul3A_197 : vector<16xf32> to vector<1x16xf32>
      tpu.vector_store %arg9[%swap3A_198, %swap3A_199], %swap3A_202 {strides = array<i32>} : memref<96x256xf32, #tpu.memory_space<vmem>>, vector<1x16xf32>,
      %get3A_203 = arith.index_cast %scan3A_127 : i32 to index
      %get3A_204 = arith.constant 64 : index
      %get3A_205 = tpu.vector_load %arg9[%get3A_203, %get3A_204] {strides = array<i32>} : memref<96x256xf32, #tpu.memory_space<vmem>>, vector<1x16xf32>,
      %get3A_206 = vector.shape_cast %get3A_205 : vector<1x16xf32> to vector<16xf32>
      %add3A_207 = arith.constant 96 : i32
      %add3A_208 = arith.addi %add3A_207, %scan3A_127 : i32
      %get3A_209 = arith.index_cast %add3A_208 : i32 to index
      %get3A_210 = arith.constant 64 : index
      %get3A_211 = tpu.vector_load %arg7[%get3A_209, %get3A_210] {strides = array<i32>} : memref<288x256xf32, #tpu.memory_space<vmem>>, vector<1x16xf32>,
      %get3A_212 = vector.shape_cast %get3A_211 : vector<1x16xf32> to vector<16xf32>
      %add3A_213 = arith.constant 1.000000e+00 : f32
      %add3A_214 = vector.broadcast %add3A_213 : f32 to vector<16xf32>
      %add3A_215 = arith.addf %get3A_212, %add3A_214 : vector<16xf32>
      %mul3A_216 = arith.mulf %get3A_206, %add3A_215 : vector<16xf32>
      %swap3A_217 = arith.index_cast %scan3A_127 : i32 to index
      %swap3A_218 = arith.constant 64 : index
      %swap3A_219 = tpu.vector_load %arg9[%swap3A_217, %swap3A_218] {strides = array<i32>} : memref<96x256xf32, #tpu.memory_space<vmem>>, vector<1x16xf32>,
      %swap3A_220 = vector.shape_cast %swap3A_219 : vector<1x16xf32> to vector<16xf32>
      %swap3A_221 = vector.shape_cast %mul3A_216 : vector<16xf32> to vector<1x16xf32>
      tpu.vector_store %arg9[%swap3A_217, %swap3A_218], %swap3A_221 {strides = array<i32>} : memref<96x256xf32, #tpu.memory_space<vmem>>, vector<1x16xf32>,
      %get3A_222 = arith.index_cast %scan3A_127 : i32 to index
      %get3A_223 = arith.constant 80 : index
      %get3A_224 = tpu.vector_load %arg9[%get3A_222, %get3A_223] {strides = array<i32>} : memref<96x256xf32, #tpu.memory_space<vmem>>, vector<1x16xf32>,
      %get3A_225 = vector.shape_cast %get3A_224 : vector<1x16xf32> to vector<16xf32>
      %add3A_226 = arith.constant 96 : i32
      %add3A_227 = arith.addi %add3A_226, %scan3A_127 : i32
      %get3A_228 = arith.index_cast %add3A_227 : i32 to index
      %get3A_229 = arith.constant 80 : index
      %get3A_230 = tpu.vector_load %arg7[%get3A_228, %get3A_229] {strides = array<i32>} : memref<288x256xf32, #tpu.memory_space<vmem>>, vector<1x16xf32>,
      %get3A_231 = vector.shape_cast %get3A_230 : vector<1x16xf32> to vector<16xf32>
      %add3A_232 = arith.constant 1.000000e+00 : f32
      %add3A_233 = vector.broadcast %add3A_232 : f32 to vector<16xf32>
      %add3A_234 = arith.addf %get3A_231, %add3A_233 : vector<16xf32>
      %mul3A_235 = arith.mulf %get3A_225, %add3A_234 : vector<16xf32>
      %swap3A_236 = arith.index_cast %scan3A_127 : i32 to index
      %swap3A_237 = arith.constant 80 : index
      %swap3A_238 = tpu.vector_load %arg9[%swap3A_236, %swap3A_237] {strides = array<i32>} : memref<96x256xf32, #tpu.memory_space<vmem>>, vector<1x16xf32>,
      %swap3A_239 = vector.shape_cast %swap3A_238 : vector<1x16xf32> to vector<16xf32>
      %swap3A_240 = vector.shape_cast %mul3A_235 : vector<16xf32> to vector<1x16xf32>
      tpu.vector_store %arg9[%swap3A_236, %swap3A_237], %swap3A_240 {strides = array<i32>} : memref<96x256xf32, #tpu.memory_space<vmem>>, vector<1x16xf32>,
      %get3A_241 = arith.index_cast %scan3A_127 : i32 to index
      %get3A_242 = arith.constant 96 : index
      %get3A_243 = tpu.vector_load %arg9[%get3A_241, %get3A_242] {strides = array<i32>} : memref<96x256xf32, #tpu.memory_space<vmem>>, vector<1x16xf32>,
      %get3A_244 = vector.shape_cast %get3A_243 : vector<1x16xf32> to vector<16xf32>
      %add3A_245 = arith.constant 96 : i32
      %add3A_246 = arith.addi %add3A_245, %scan3A_127 : i32
      %get3A_247 = arith.index_cast %add3A_246 : i32 to index
      %get3A_248 = arith.constant 96 : index
      %get3A_249 = tpu.vector_load %arg7[%get3A_247, %get3A_248] {strides = array<i32>} : memref<288x256xf32, #tpu.memory_space<vmem>>, vector<1x16xf32>,
      %get3A_250 = vector.shape_cast %get3A_249 : vector<1x16xf32> to vector<16xf32>
      %add3A_251 = arith.constant 1.000000e+00 : f32
      %add3A_252 = vector.broadcast %add3A_251 : f32 to vector<16xf32>
      %add3A_253 = arith.addf %get3A_250, %add3A_252 : vector<16xf32>
      %mul3A_254 = arith.mulf %get3A_244, %add3A_253 : vector<16xf32>
      %swap3A_255 = arith.index_cast %scan3A_127 : i32 to index
      %swap3A_256 = arith.constant 96 : index
      %swap3A_257 = tpu.vector_load %arg9[%swap3A_255, %swap3A_256] {strides = array<i32>} : memref<96x256xf32, #tpu.memory_space<vmem>>, vector<1x16xf32>,
      %swap3A_258 = vector.shape_cast %swap3A_257 : vector<1x16xf32> to vector<16xf32>
      %swap3A_259 = vector.shape_cast %mul3A_254 : vector<16xf32> to vector<1x16xf32>
      tpu.vector_store %arg9[%swap3A_255, %swap3A_256], %swap3A_259 {strides = array<i32>} : memref<96x256xf32, #tpu.memory_space<vmem>>, vector<1x16xf32>,
      %get3A_260 = arith.index_cast %scan3A_127 : i32 to index
      %get3A_261 = arith.constant 112 : index
      %get3A_262 = tpu.vector_load %arg9[%get3A_260, %get3A_261] {strides = array<i32>} : memref<96x256xf32, #tpu.memory_space<vmem>>, vector<1x16xf32>,
      %get3A_263 = vector.shape_cast %get3A_262 : vector<1x16xf32> to vector<16xf32>
      %add3A_264 = arith.constant 96 : i32
      %add3A_265 = arith.addi %add3A_264, %scan3A_127 : i32
      %get3A_266 = arith.index_cast %add3A_265 : i32 to index
      %get3A_267 = arith.constant 112 : index
      %get3A_268 = tpu.vector_load %arg7[%get3A_266, %get3A_267] {strides = array<i32>} : memref<288x256xf32, #tpu.memory_space<vmem>>, vector<1x16xf32>,
      %get3A_269 = vector.shape_cast %get3A_268 : vector<1x16xf32> to vector<16xf32>
      %add3A_270 = arith.constant 1.000000e+00 : f32
      %add3A_271 = vector.broadcast %add3A_270 : f32 to vector<16xf32>
      %add3A_272 = arith.addf %get3A_269, %add3A_271 : vector<16xf32>
      %mul3A_273 = arith.mulf %get3A_263, %add3A_272 : vector<16xf32>
      %swap3A_274 = arith.index_cast %scan3A_127 : i32 to index
      %swap3A_275 = arith.constant 112 : index
      %swap3A_276 = tpu.vector_load %arg9[%swap3A_274, %swap3A_275] {strides = array<i32>} : memref<96x256xf32, #tpu.memory_space<vmem>>, vector<1x16xf32>,
      %swap3A_277 = vector.shape_cast %swap3A_276 : vector<1x16xf32> to vector<16xf32>
      %swap3A_278 = vector.shape_cast %mul3A_273 : vector<16xf32> to vector<1x16xf32>
      tpu.vector_store %arg9[%swap3A_274, %swap3A_275], %swap3A_278 {strides = array<i32>} : memref<96x256xf32, #tpu.memory_space<vmem>>, vector<1x16xf32>,
      %get3A_279 = arith.index_cast %scan3A_127 : i32 to index
      %get3A_280 = arith.constant 128 : index
      %get3A_281 = tpu.vector_load %arg9[%get3A_279, %get3A_280] {strides = array<i32>} : memref<96x256xf32, #tpu.memory_space<vmem>>, vector<1x16xf32>,
      %get3A_282 = vector.shape_cast %get3A_281 : vector<1x16xf32> to vector<16xf32>
      %add3A_283 = arith.constant 96 : i32
      %add3A_284 = arith.addi %add3A_283, %scan3A_127 : i32
      %get3A_285 = arith.index_cast %add3A_284 : i32 to index
      %get3A_286 = arith.constant 128 : index
      %get3A_287 = tpu.vector_load %arg7[%get3A_285, %get3A_286] {strides = array<i32>} : memref<288x256xf32, #tpu.memory_space<vmem>>, vector<1x16xf32>,
      %get3A_288 = vector.shape_cast %get3A_287 : vector<1x16xf32> to vector<16xf32>
      %add3A_289 = arith.constant 1.000000e+00 : f32
      %add3A_290 = vector.broadcast %add3A_289 : f32 to vector<16xf32>
      %add3A_291 = arith.addf %get3A_288, %add3A_290 : vector<16xf32>
      %mul3A_292 = arith.mulf %get3A_282, %add3A_291 : vector<16xf32>
      %swap3A_293 = arith.index_cast %scan3A_127 : i32 to index
      %swap3A_294 = arith.constant 128 : index
      %swap3A_295 = tpu.vector_load %arg9[%swap3A_293, %swap3A_294] {strides = array<i32>} : memref<96x256xf32, #tpu.memory_space<vmem>>, vector<1x16xf32>,
      %swap3A_296 = vector.shape_cast %swap3A_295 : vector<1x16xf32> to vector<16xf32>
      %swap3A_297 = vector.shape_cast %mul3A_292 : vector<16xf32> to vector<1x16xf32>
      tpu.vector_store %arg9[%swap3A_293, %swap3A_294], %swap3A_297 {strides = array<i32>} : memref<96x256xf32, #tpu.memory_space<vmem>>, vector<1x16xf32>,
      %get3A_298 = arith.index_cast %scan3A_127 : i32 to index
      %get3A_299 = arith.constant 144 : index
      %get3A_300 = tpu.vector_load %arg9[%get3A_298, %get3A_299] {strides = array<i32>} : memref<96x256xf32, #tpu.memory_space<vmem>>, vector<1x16xf32>,
      %get3A_301 = vector.shape_cast %get3A_300 : vector<1x16xf32> to vector<16xf32>
      %add3A_302 = arith.constant 96 : i32
      %add3A_303 = arith.addi %add3A_302, %scan3A_127 : i32
      %get3A_304 = arith.index_cast %add3A_303 : i32 to index
      %get3A_305 = arith.constant 144 : index
      %get3A_306 = tpu.vector_load %arg7[%get3A_304, %get3A_305] {strides = array<i32>} : memref<288x256xf32, #tpu.memory_space<vmem>>, vector<1x16xf32>,
      %get3A_307 = vector.shape_cast %get3A_306 : vector<1x16xf32> to vector<16xf32>
      %add3A_308 = arith.constant 1.000000e+00 : f32
      %add3A_309 = vector.broadcast %add3A_308 : f32 to vector<16xf32>
      %add3A_310 = arith.addf %get3A_307, %add3A_309 : vector<16xf32>
      %mul3A_311 = arith.mulf %get3A_301, %add3A_310 : vector<16xf32>
      %swap3A_312 = arith.index_cast %scan3A_127 : i32 to index
      %swap3A_313 = arith.constant 144 : index
      %swap3A_314 = tpu.vector_load %arg9[%swap3A_312, %swap3A_313] {strides = array<i32>} : memref<96x256xf32, #tpu.memory_space<vmem>>, vector<1x16xf32>,
      %swap3A_315 = vector.shape_cast %swap3A_314 : vector<1x16xf32> to vector<16xf32>
      %swap3A_316 = vector.shape_cast %mul3A_311 : vector<16xf32> to vector<1x16xf32>
      tpu.vector_store %arg9[%swap3A_312, %swap3A_313], %swap3A_316 {strides = array<i32>} : memref<96x256xf32, #tpu.memory_space<vmem>>, vector<1x16xf32>,
      %get3A_317 = arith.index_cast %scan3A_127 : i32 to index
      %get3A_318 = arith.constant 160 : index
      %get3A_319 = tpu.vector_load %arg9[%get3A_317, %get3A_318] {strides = array<i32>} : memref<96x256xf32, #tpu.memory_space<vmem>>, vector<1x16xf32>,
      %get3A_320 = vector.shape_cast %get3A_319 : vector<1x16xf32> to vector<16xf32>
      %add3A_321 = arith.constant 96 : i32
      %add3A_322 = arith.addi %add3A_321, %scan3A_127 : i32
      %get3A_323 = arith.index_cast %add3A_322 : i32 to index
      %get3A_324 = arith.constant 160 : index
      %get3A_325 = tpu.vector_load %arg7[%get3A_323, %get3A_324] {strides = array<i32>} : memref<288x256xf32, #tpu.memory_space<vmem>>, vector<1x16xf32>,
      %get3A_326 = vector.shape_cast %get3A_325 : vector<1x16xf32> to vector<16xf32>
      %add3A_327 = arith.constant 1.000000e+00 : f32
      %add3A_328 = vector.broadcast %add3A_327 : f32 to vector<16xf32>
      %add3A_329 = arith.addf %get3A_326, %add3A_328 : vector<16xf32>
      %mul3A_330 = arith.mulf %get3A_320, %add3A_329 : vector<16xf32>
      %swap3A_331 = arith.index_cast %scan3A_127 : i32 to index
      %swap3A_332 = arith.constant 160 : index
      %swap3A_333 = tpu.vector_load %arg9[%swap3A_331, %swap3A_332] {strides = array<i32>} : memref<96x256xf32, #tpu.memory_space<vmem>>, vector<1x16xf32>,
      %swap3A_334 = vector.shape_cast %swap3A_333 : vector<1x16xf32> to vector<16xf32>
      %swap3A_335 = vector.shape_cast %mul3A_330 : vector<16xf32> to vector<1x16xf32>
      tpu.vector_store %arg9[%swap3A_331, %swap3A_332], %swap3A_335 {strides = array<i32>} : memref<96x256xf32, #tpu.memory_space<vmem>>, vector<1x16xf32>,
      %get3A_336 = arith.index_cast %scan3A_127 : i32 to index
      %get3A_337 = arith.constant 176 : index
      %get3A_338 = tpu.vector_load %arg9[%get3A_336, %get3A_337] {strides = array<i32>} : memref<96x256xf32, #tpu.memory_space<vmem>>, vector<1x16xf32>,
      %get3A_339 = vector.shape_cast %get3A_338 : vector<1x16xf32> to vector<16xf32>
      %add3A_340 = arith.constant 96 : i32
      %add3A_341 = arith.addi %add3A_340, %scan3A_127 : i32
      %get3A_342 = arith.index_cast %add3A_341 : i32 to index
      %get3A_343 = arith.constant 176 : index
      %get3A_344 = tpu.vector_load %arg7[%get3A_342, %get3A_343] {strides = array<i32>} : memref<288x256xf32, #tpu.memory_space<vmem>>, vector<1x16xf32>,
      %get3A_345 = vector.shape_cast %get3A_344 : vector<1x16xf32> to vector<16xf32>
      %add3A_346 = arith.constant 1.000000e+00 : f32
      %add3A_347 = vector.broadcast %add3A_346 : f32 to vector<16xf32>
      %add3A_348 = arith.addf %get3A_345, %add3A_347 : vector<16xf32>
      %mul3A_349 = arith.mulf %get3A_339, %add3A_348 : vector<16xf32>
      %swap3A_350 = arith.index_cast %scan3A_127 : i32 to index
      %swap3A_351 = arith.constant 176 : index
      %swap3A_352 = tpu.vector_load %arg9[%swap3A_350, %swap3A_351] {strides = array<i32>} : memref<96x256xf32, #tpu.memory_space<vmem>>, vector<1x16xf32>,
      %swap3A_353 = vector.shape_cast %swap3A_352 : vector<1x16xf32> to vector<16xf32>
      %swap3A_354 = vector.shape_cast %mul3A_349 : vector<16xf32> to vector<1x16xf32>
      tpu.vector_store %arg9[%swap3A_350, %swap3A_351], %swap3A_354 {strides = array<i32>} : memref<96x256xf32, #tpu.memory_space<vmem>>, vector<1x16xf32>,
      %get3A_355 = arith.index_cast %scan3A_127 : i32 to index
      %get3A_356 = arith.constant 192 : index
      %get3A_357 = tpu.vector_load %arg9[%get3A_355, %get3A_356] {strides = array<i32>} : memref<96x256xf32, #tpu.memory_space<vmem>>, vector<1x16xf32>,
      %get3A_358 = vector.shape_cast %get3A_357 : vector<1x16xf32> to vector<16xf32>
      %add3A_359 = arith.constant 96 : i32
      %add3A_360 = arith.addi %add3A_359, %scan3A_127 : i32
      %get3A_361 = arith.index_cast %add3A_360 : i32 to index
      %get3A_362 = arith.constant 192 : index
      %get3A_363 = tpu.vector_load %arg7[%get3A_361, %get3A_362] {strides = array<i32>} : memref<288x256xf32, #tpu.memory_space<vmem>>, vector<1x16xf32>,
      %get3A_364 = vector.shape_cast %get3A_363 : vector<1x16xf32> to vector<16xf32>
      %add3A_365 = arith.constant 1.000000e+00 : f32
      %add3A_366 = vector.broadcast %add3A_365 : f32 to vector<16xf32>
      %add3A_367 = arith.addf %get3A_364, %add3A_366 : vector<16xf32>
      %mul3A_368 = arith.mulf %get3A_358, %add3A_367 : vector<16xf32>
      %swap3A_369 = arith.index_cast %scan3A_127 : i32 to index
      %swap3A_370 = arith.constant 192 : index
      %swap3A_371 = tpu.vector_load %arg9[%swap3A_369, %swap3A_370] {strides = array<i32>} : memref<96x256xf32, #tpu.memory_space<vmem>>, vector<1x16xf32>,
      %swap3A_372 = vector.shape_cast %swap3A_371 : vector<1x16xf32> to vector<16xf32>
      %swap3A_373 = vector.shape_cast %mul3A_368 : vector<16xf32> to vector<1x16xf32>
      tpu.vector_store %arg9[%swap3A_369, %swap3A_370], %swap3A_373 {strides = array<i32>} : memref<96x256xf32, #tpu.memory_space<vmem>>, vector<1x16xf32>,
      %get3A_374 = arith.index_cast %scan3A_127 : i32 to index
      %get3A_375 = arith.constant 208 : index
      %get3A_376 = tpu.vector_load %arg9[%get3A_374, %get3A_375] {strides = array<i32>} : memref<96x256xf32, #tpu.memory_space<vmem>>, vector<1x16xf32>,
      %get3A_377 = vector.shape_cast %get3A_376 : vector<1x16xf32> to vector<16xf32>
      %add3A_378 = arith.constant 96 : i32
      %add3A_379 = arith.addi %add3A_378, %scan3A_127 : i32
      %get3A_380 = arith.index_cast %add3A_379 : i32 to index
      %get3A_381 = arith.constant 208 : index
      %get3A_382 = tpu.vector_load %arg7[%get3A_380, %get3A_381] {strides = array<i32>} : memref<288x256xf32, #tpu.memory_space<vmem>>, vector<1x16xf32>,
      %get3A_383 = vector.shape_cast %get3A_382 : vector<1x16xf32> to vector<16xf32>
      %add3A_384 = arith.constant 1.000000e+00 : f32
      %add3A_385 = vector.broadcast %add3A_384 : f32 to vector<16xf32>
      %add3A_386 = arith.addf %get3A_383, %add3A_385 : vector<16xf32>
      %mul3A_387 = arith.mulf %get3A_377, %add3A_386 : vector<16xf32>
      %swap3A_388 = arith.index_cast %scan3A_127 : i32 to index
      %swap3A_389 = arith.constant 208 : index
      %swap3A_390 = tpu.vector_load %arg9[%swap3A_388, %swap3A_389] {strides = array<i32>} : memref<96x256xf32, #tpu.memory_space<vmem>>, vector<1x16xf32>,
      %swap3A_391 = vector.shape_cast %swap3A_390 : vector<1x16xf32> to vector<16xf32>
      %swap3A_392 = vector.shape_cast %mul3A_387 : vector<16xf32> to vector<1x16xf32>
      tpu.vector_store %arg9[%swap3A_388, %swap3A_389], %swap3A_392 {strides = array<i32>} : memref<96x256xf32, #tpu.memory_space<vmem>>, vector<1x16xf32>,
      %get3A_393 = arith.index_cast %scan3A_127 : i32 to index
      %get3A_394 = arith.constant 224 : index
      %get3A_395 = tpu.vector_load %arg9[%get3A_393, %get3A_394] {strides = array<i32>} : memref<96x256xf32, #tpu.memory_space<vmem>>, vector<1x16xf32>,
      %get3A_396 = vector.shape_cast %get3A_395 : vector<1x16xf32> to vector<16xf32>
      %add3A_397 = arith.constant 96 : i32
      %add3A_398 = arith.addi %add3A_397, %scan3A_127 : i32
      %get3A_399 = arith.index_cast %add3A_398 : i32 to index
      %get3A_400 = arith.constant 224 : index
      %get3A_401 = tpu.vector_load %arg7[%get3A_399, %get3A_400] {strides = array<i32>} : memref<288x256xf32, #tpu.memory_space<vmem>>, vector<1x16xf32>,
      %get3A_402 = vector.shape_cast %get3A_401 : vector<1x16xf32> to vector<16xf32>
      %add3A_403 = arith.constant 1.000000e+00 : f32
      %add3A_404 = vector.broadcast %add3A_403 : f32 to vector<16xf32>
      %add3A_405 = arith.addf %get3A_402, %add3A_404 : vector<16xf32>
      %mul3A_406 = arith.mulf %get3A_396, %add3A_405 : vector<16xf32>
      %swap3A_407 = arith.index_cast %scan3A_127 : i32 to index
      %swap3A_408 = arith.constant 224 : index
      %swap3A_409 = tpu.vector_load %arg9[%swap3A_407, %swap3A_408] {strides = array<i32>} : memref<96x256xf32, #tpu.memory_space<vmem>>, vector<1x16xf32>,
      %swap3A_410 = vector.shape_cast %swap3A_409 : vector<1x16xf32> to vector<16xf32>
      %swap3A_411 = vector.shape_cast %mul3A_406 : vector<16xf32> to vector<1x16xf32>
      tpu.vector_store %arg9[%swap3A_407, %swap3A_408], %swap3A_411 {strides = array<i32>} : memref<96x256xf32, #tpu.memory_space<vmem>>, vector<1x16xf32>,
      %get3A_412 = arith.index_cast %scan3A_127 : i32 to index
      %get3A_413 = arith.constant 240 : index
      %get3A_414 = tpu.vector_load %arg9[%get3A_412, %get3A_413] {strides = array<i32>} : memref<96x256xf32, #tpu.memory_space<vmem>>, vector<1x16xf32>,
      %get3A_415 = vector.shape_cast %get3A_414 : vector<1x16xf32> to vector<16xf32>
      %add3A_416 = arith.constant 96 : i32
      %add3A_417 = arith.addi %add3A_416, %scan3A_127 : i32
      %get3A_418 = arith.index_cast %add3A_417 : i32 to index
      %get3A_419 = arith.constant 240 : index
      %get3A_420 = tpu.vector_load %arg7[%get3A_418, %get3A_419] {strides = array<i32>} : memref<288x256xf32, #tpu.memory_space<vmem>>, vector<1x16xf32>,
      %get3A_421 = vector.shape_cast %get3A_420 : vector<1x16xf32> to vector<16xf32>
      %add3A_422 = arith.constant 1.000000e+00 : f32
      %add3A_423 = vector.broadcast %add3A_422 : f32 to vector<16xf32>
      %add3A_424 = arith.addf %get3A_421, %add3A_423 : vector<16xf32>
      %mul3A_425 = arith.mulf %get3A_415, %add3A_424 : vector<16xf32>
      %swap3A_426 = arith.index_cast %scan3A_127 : i32 to index
      %swap3A_427 = arith.constant 240 : index
      %swap3A_428 = tpu.vector_load %arg9[%swap3A_426, %swap3A_427] {strides = array<i32>} : memref<96x256xf32, #tpu.memory_space<vmem>>, vector<1x16xf32>,
      %swap3A_429 = vector.shape_cast %swap3A_428 : vector<1x16xf32> to vector<16xf32>
      %swap3A_430 = vector.shape_cast %mul3A_425 : vector<16xf32> to vector<1x16xf32>
      tpu.vector_store %arg9[%swap3A_426, %swap3A_427], %swap3A_430 {strides = array<i32>} : memref<96x256xf32, #tpu.memory_space<vmem>>, vector<1x16xf32>,
      %scan3A_431 = arith.constant 0 : i32
      scf.yield %scan3A_431 : i32
    }
    %scan3A_87 = arith.constant 96 : i32
    %add3A_88 = arith.constant 96 : i32
    %add3A_89 = arith.addi %mul3A_2, %add3A_88 : i32
    %dma_start3A_90 = arith.constant 0 : i32
    %dma_start3A_91 = tpu.memref_slice %arg5[%add3A_89, %dma_start3A_90] : memref<9216x256xf32, #tpu.memory_space<hbm>> -> memref<96x256xf32, #tpu.memory_space<hbm>>
    %dma_start3A_92 = arith.constant 0 : i32
    %dma_start3A_93 = tpu.memref_slice %arg5[%add3A_89, %dma_start3A_92] : memref<9216x256xf32, #tpu.memory_space<hbm>> -> memref<96x256xf32, #tpu.memory_space<hbm>>
    tpu.enqueue_dma source(%arg9 : memref<96x256xf32, #tpu.memory_space<vmem>>) target(%dma_start3A_93 : memref<96x256xf32, #tpu.memory_space<hbm>>) target_semaphore(%arg16 : memref<!tpu.dma_semaphore, #tpu.memory_space<semaphore_mem>>)
    %dma_wait3A_94 = arith.constant 192 : i32
    %dma_wait3A_95 = arith.constant 0 : i32
    %dma_wait3A_96 = tpu.memref_slice %arg7[%dma_wait3A_94, %dma_wait3A_95] : memref<288x256xf32, #tpu.memory_space<vmem>> -> memref<96x256xf32, #tpu.memory_space<vmem>>
    %dma_wait3A_97 = arith.constant 192 : i32
    %dma_wait3A_98 = tpu.memref_slice %arg6[%dma_wait3A_97] : memref<288xi32, #tpu.memory_space<vmem>> -> memref<96xi32, #tpu.memory_space<vmem>>
    %dma_wait3A_99 = arith.constant 0 : i32
    %dma_wait3A_100 = arith.constant 0 : i32
    %dma_wait3A_101 = tpu.memref_slice %arg4[%dma_wait3A_99, %dma_wait3A_100] : memref<1024x256xf32, #tpu.memory_space<hbm>> -> memref<1024x256xf32, #tpu.memory_space<hbm>>
    tpu.wait_indirect_dma semaphore(%arg12 : memref<!tpu.dma_semaphore, #tpu.memory_space<semaphore_mem>>) src(%dma_wait3A_101 : memref<1024x256xf32, #tpu.memory_space<hbm>>) dst(%dma_wait3A_96 : memref<96x256xf32, #tpu.memory_space<vmem>>)
    %dma_wait3A_102 = arith.constant 0 : i32
    %dma_wait3A_103 = tpu.memref_slice %arg3[%add3A_64, %dma_wait3A_102] : memref<9216x256xf32, #tpu.memory_space<hbm>> -> memref<96x256xf32, #tpu.memory_space<hbm>>
    %dma_wait3A_104 = arith.constant 0 : i32
    %dma_wait3A_105 = tpu.memref_slice %arg3[%add3A_64, %dma_wait3A_104] : memref<9216x256xf32, #tpu.memory_space<hbm>> -> memref<96x256xf32, #tpu.memory_space<hbm>>
    tpu.wait_dma2 semaphore(%arg13 : memref<!tpu.dma_semaphore, #tpu.memory_space<semaphore_mem>>) src(%dma_wait3A_105 : memref<96x256xf32, #tpu.memory_space<hbm>>) dst(%arg8 : memref<96x256xf32, #tpu.memory_space<vmem>>)
    %scan3A_106 = arith.constant 0 : i32
    %scan3A_107 = arith.constant 0 : i32
    %scan3A_108 = arith.constant 96 : i32
    %scan3A_109 = arith.addi %scan3A_107, %scan3A_108 : i32
    %scan3A_110 = arith.constant 1 : i32
    %scan3A_111 = scf.for %scan3A_127 = %scan3A_107 to %scan3A_109 step %scan3A_110 iter_args(%scan3A_128 = %scan3A_106) -> (i32)  : i32 {
      %get3A = arith.index_cast %scan3A_127 : i32 to index
      %get3A_129 = arith.constant 0 : index
      %get3A_130 = tpu.vector_load %arg8[%get3A, %get3A_129] {strides = array<i32>} : memref<96x256xf32, #tpu.memory_space<vmem>>, vector<1x16xf32>,
      %get3A_131 = vector.shape_cast %get3A_130 : vector<1x16xf32> to vector<16xf32>
      %add3A_132 = arith.constant 192 : i32
      %add3A_133 = arith.addi %add3A_132, %scan3A_127 : i32
      %get3A_134 = arith.index_cast %add3A_133 : i32 to index
      %get3A_135 = arith.constant 0 : index
      %get3A_136 = tpu.vector_load %arg7[%get3A_134, %get3A_135] {strides = array<i32>} : memref<288x256xf32, #tpu.memory_space<vmem>>, vector<1x16xf32>,
      %get3A_137 = vector.shape_cast %get3A_136 : vector<1x16xf32> to vector<16xf32>
      %add3A_138 = arith.constant 1.000000e+00 : f32
      %add3A_139 = vector.broadcast %add3A_138 : f32 to vector<16xf32>
      %add3A_140 = arith.addf %get3A_137, %add3A_139 : vector<16xf32>
      %mul3A_141 = arith.mulf %get3A_131, %add3A_140 : vector<16xf32>
      %swap3A = arith.index_cast %scan3A_127 : i32 to index
      %swap3A_142 = arith.constant 0 : index
      %swap3A_143 = tpu.vector_load %arg8[%swap3A, %swap3A_142] {strides = array<i32>} : memref<96x256xf32, #tpu.memory_space<vmem>>, vector<1x16xf32>,
      %swap3A_144 = vector.shape_cast %swap3A_143 : vector<1x16xf32> to vector<16xf32>
      %swap3A_145 = vector.shape_cast %mul3A_141 : vector<16xf32> to vector<1x16xf32>
      tpu.vector_store %arg8[%swap3A, %swap3A_142], %swap3A_145 {strides = array<i32>} : memref<96x256xf32, #tpu.memory_space<vmem>>, vector<1x16xf32>,
      %get3A_146 = arith.index_cast %scan3A_127 : i32 to index
      %get3A_147 = arith.constant 16 : index
      %get3A_148 = tpu.vector_load %arg8[%get3A_146, %get3A_147] {strides = array<i32>} : memref<96x256xf32, #tpu.memory_space<vmem>>, vector<1x16xf32>,
      %get3A_149 = vector.shape_cast %get3A_148 : vector<1x16xf32> to vector<16xf32>
      %add3A_150 = arith.constant 192 : i32
      %add3A_151 = arith.addi %add3A_150, %scan3A_127 : i32
      %get3A_152 = arith.index_cast %add3A_151 : i32 to index
      %get3A_153 = arith.constant 16 : index
      %get3A_154 = tpu.vector_load %arg7[%get3A_152, %get3A_153] {strides = array<i32>} : memref<288x256xf32, #tpu.memory_space<vmem>>, vector<1x16xf32>,
      %get3A_155 = vector.shape_cast %get3A_154 : vector<1x16xf32> to vector<16xf32>
      %add3A_156 = arith.constant 1.000000e+00 : f32
      %add3A_157 = vector.broadcast %add3A_156 : f32 to vector<16xf32>
      %add3A_158 = arith.addf %get3A_155, %add3A_157 : vector<16xf32>
      %mul3A_159 = arith.mulf %get3A_149, %add3A_158 : vector<16xf32>
      %swap3A_160 = arith.index_cast %scan3A_127 : i32 to index
      %swap3A_161 = arith.constant 16 : index
      %swap3A_162 = tpu.vector_load %arg8[%swap3A_160, %swap3A_161] {strides = array<i32>} : memref<96x256xf32, #tpu.memory_space<vmem>>, vector<1x16xf32>,
      %swap3A_163 = vector.shape_cast %swap3A_162 : vector<1x16xf32> to vector<16xf32>
      %swap3A_164 = vector.shape_cast %mul3A_159 : vector<16xf32> to vector<1x16xf32>
      tpu.vector_store %arg8[%swap3A_160, %swap3A_161], %swap3A_164 {strides = array<i32>} : memref<96x256xf32, #tpu.memory_space<vmem>>, vector<1x16xf32>,
      %get3A_165 = arith.index_cast %scan3A_127 : i32 to index
      %get3A_166 = arith.constant 32 : index
      %get3A_167 = tpu.vector_load %arg8[%get3A_165, %get3A_166] {strides = array<i32>} : memref<96x256xf32, #tpu.memory_space<vmem>>, vector<1x16xf32>,
      %get3A_168 = vector.shape_cast %get3A_167 : vector<1x16xf32> to vector<16xf32>
      %add3A_169 = arith.constant 192 : i32
      %add3A_170 = arith.addi %add3A_169, %scan3A_127 : i32
      %get3A_171 = arith.index_cast %add3A_170 : i32 to index
      %get3A_172 = arith.constant 32 : index
      %get3A_173 = tpu.vector_load %arg7[%get3A_171, %get3A_172] {strides = array<i32>} : memref<288x256xf32, #tpu.memory_space<vmem>>, vector<1x16xf32>,
      %get3A_174 = vector.shape_cast %get3A_173 : vector<1x16xf32> to vector<16xf32>
      %add3A_175 = arith.constant 1.000000e+00 : f32
      %add3A_176 = vector.broadcast %add3A_175 : f32 to vector<16xf32>
      %add3A_177 = arith.addf %get3A_174, %add3A_176 : vector<16xf32>
      %mul3A_178 = arith.mulf %get3A_168, %add3A_177 : vector<16xf32>
      %swap3A_179 = arith.index_cast %scan3A_127 : i32 to index
      %swap3A_180 = arith.constant 32 : index
      %swap3A_181 = tpu.vector_load %arg8[%swap3A_179, %swap3A_180] {strides = array<i32>} : memref<96x256xf32, #tpu.memory_space<vmem>>, vector<1x16xf32>,
      %swap3A_182 = vector.shape_cast %swap3A_181 : vector<1x16xf32> to vector<16xf32>
      %swap3A_183 = vector.shape_cast %mul3A_178 : vector<16xf32> to vector<1x16xf32>
      tpu.vector_store %arg8[%swap3A_179, %swap3A_180], %swap3A_183 {strides = array<i32>} : memref<96x256xf32, #tpu.memory_space<vmem>>, vector<1x16xf32>,
      %get3A_184 = arith.index_cast %scan3A_127 : i32 to index
      %get3A_185 = arith.constant 48 : index
      %get3A_186 = tpu.vector_load %arg8[%get3A_184, %get3A_185] {strides = array<i32>} : memref<96x256xf32, #tpu.memory_space<vmem>>, vector<1x16xf32>,
      %get3A_187 = vector.shape_cast %get3A_186 : vector<1x16xf32> to vector<16xf32>
      %add3A_188 = arith.constant 192 : i32
      %add3A_189 = arith.addi %add3A_188, %scan3A_127 : i32
      %get3A_190 = arith.index_cast %add3A_189 : i32 to index
      %get3A_191 = arith.constant 48 : index
      %get3A_192 = tpu.vector_load %arg7[%get3A_190, %get3A_191] {strides = array<i32>} : memref<288x256xf32, #tpu.memory_space<vmem>>, vector<1x16xf32>,
      %get3A_193 = vector.shape_cast %get3A_192 : vector<1x16xf32> to vector<16xf32>
      %add3A_194 = arith.constant 1.000000e+00 : f32
      %add3A_195 = vector.broadcast %add3A_194 : f32 to vector<16xf32>
      %add3A_196 = arith.addf %get3A_193, %add3A_195 : vector<16xf32>
      %mul3A_197 = arith.mulf %get3A_187, %add3A_196 : vector<16xf32>
      %swap3A_198 = arith.index_cast %scan3A_127 : i32 to index
      %swap3A_199 = arith.constant 48 : index
      %swap3A_200 = tpu.vector_load %arg8[%swap3A_198, %swap3A_199] {strides = array<i32>} : memref<96x256xf32, #tpu.memory_space<vmem>>, vector<1x16xf32>,
      %swap3A_201 = vector.shape_cast %swap3A_200 : vector<1x16xf32> to vector<16xf32>
      %swap3A_202 = vector.shape_cast %mul3A_197 : vector<16xf32> to vector<1x16xf32>
      tpu.vector_store %arg8[%swap3A_198, %swap3A_199], %swap3A_202 {strides = array<i32>} : memref<96x256xf32, #tpu.memory_space<vmem>>, vector<1x16xf32>,
      %get3A_203 = arith.index_cast %scan3A_127 : i32 to index
      %get3A_204 = arith.constant 64 : index
      %get3A_205 = tpu.vector_load %arg8[%get3A_203, %get3A_204] {strides = array<i32>} : memref<96x256xf32, #tpu.memory_space<vmem>>, vector<1x16xf32>,
      %get3A_206 = vector.shape_cast %get3A_205 : vector<1x16xf32> to vector<16xf32>
      %add3A_207 = arith.constant 192 : i32
      %add3A_208 = arith.addi %add3A_207, %scan3A_127 : i32
      %get3A_209 = arith.index_cast %add3A_208 : i32 to index
      %get3A_210 = arith.constant 64 : index
      %get3A_211 = tpu.vector_load %arg7[%get3A_209, %get3A_210] {strides = array<i32>} : memref<288x256xf32, #tpu.memory_space<vmem>>, vector<1x16xf32>,
      %get3A_212 = vector.shape_cast %get3A_211 : vector<1x16xf32> to vector<16xf32>
      %add3A_213 = arith.constant 1.000000e+00 : f32
      %add3A_214 = vector.broadcast %add3A_213 : f32 to vector<16xf32>
      %add3A_215 = arith.addf %get3A_212, %add3A_214 : vector<16xf32>
      %mul3A_216 = arith.mulf %get3A_206, %add3A_215 : vector<16xf32>
      %swap3A_217 = arith.index_cast %scan3A_127 : i32 to index
      %swap3A_218 = arith.constant 64 : index
      %swap3A_219 = tpu.vector_load %arg8[%swap3A_217, %swap3A_218] {strides = array<i32>} : memref<96x256xf32, #tpu.memory_space<vmem>>, vector<1x16xf32>,
      %swap3A_220 = vector.shape_cast %swap3A_219 : vector<1x16xf32> to vector<16xf32>
      %swap3A_221 = vector.shape_cast %mul3A_216 : vector<16xf32> to vector<1x16xf32>
      tpu.vector_store %arg8[%swap3A_217, %swap3A_218], %swap3A_221 {strides = array<i32>} : memref<96x256xf32, #tpu.memory_space<vmem>>, vector<1x16xf32>,
      %get3A_222 = arith.index_cast %scan3A_127 : i32 to index
      %get3A_223 = arith.constant 80 : index
      %get3A_224 = tpu.vector_load %arg8[%get3A_222, %get3A_223] {strides = array<i32>} : memref<96x256xf32, #tpu.memory_space<vmem>>, vector<1x16xf32>,
      %get3A_225 = vector.shape_cast %get3A_224 : vector<1x16xf32> to vector<16xf32>
      %add3A_226 = arith.constant 192 : i32
      %add3A_227 = arith.addi %add3A_226, %scan3A_127 : i32
      %get3A_228 = arith.index_cast %add3A_227 : i32 to index
      %get3A_229 = arith.constant 80 : index
      %get3A_230 = tpu.vector_load %arg7[%get3A_228, %get3A_229] {strides = array<i32>} : memref<288x256xf32, #tpu.memory_space<vmem>>, vector<1x16xf32>,
      %get3A_231 = vector.shape_cast %get3A_230 : vector<1x16xf32> to vector<16xf32>
      %add3A_232 = arith.constant 1.000000e+00 : f32
      %add3A_233 = vector.broadcast %add3A_232 : f32 to vector<16xf32>
      %add3A_234 = arith.addf %get3A_231, %add3A_233 : vector<16xf32>
      %mul3A_235 = arith.mulf %get3A_225, %add3A_234 : vector<16xf32>
      %swap3A_236 = arith.index_cast %scan3A_127 : i32 to index
      %swap3A_237 = arith.constant 80 : index
      %swap3A_238 = tpu.vector_load %arg8[%swap3A_236, %swap3A_237] {strides = array<i32>} : memref<96x256xf32, #tpu.memory_space<vmem>>, vector<1x16xf32>,
      %swap3A_239 = vector.shape_cast %swap3A_238 : vector<1x16xf32> to vector<16xf32>
      %swap3A_240 = vector.shape_cast %mul3A_235 : vector<16xf32> to vector<1x16xf32>
      tpu.vector_store %arg8[%swap3A_236, %swap3A_237], %swap3A_240 {strides = array<i32>} : memref<96x256xf32, #tpu.memory_space<vmem>>, vector<1x16xf32>,
      %get3A_241 = arith.index_cast %scan3A_127 : i32 to index
      %get3A_242 = arith.constant 96 : index
      %get3A_243 = tpu.vector_load %arg8[%get3A_241, %get3A_242] {strides = array<i32>} : memref<96x256xf32, #tpu.memory_space<vmem>>, vector<1x16xf32>,
      %get3A_244 = vector.shape_cast %get3A_243 : vector<1x16xf32> to vector<16xf32>
      %add3A_245 = arith.constant 192 : i32
      %add3A_246 = arith.addi %add3A_245, %scan3A_127 : i32
      %get3A_247 = arith.index_cast %add3A_246 : i32 to index
      %get3A_248 = arith.constant 96 : index
      %get3A_249 = tpu.vector_load %arg7[%get3A_247, %get3A_248] {strides = array<i32>} : memref<288x256xf32, #tpu.memory_space<vmem>>, vector<1x16xf32>,
      %get3A_250 = vector.shape_cast %get3A_249 : vector<1x16xf32> to vector<16xf32>
      %add3A_251 = arith.constant 1.000000e+00 : f32
      %add3A_252 = vector.broadcast %add3A_251 : f32 to vector<16xf32>
      %add3A_253 = arith.addf %get3A_250, %add3A_252 : vector<16xf32>
      %mul3A_254 = arith.mulf %get3A_244, %add3A_253 : vector<16xf32>
      %swap3A_255 = arith.index_cast %scan3A_127 : i32 to index
      %swap3A_256 = arith.constant 96 : index
      %swap3A_257 = tpu.vector_load %arg8[%swap3A_255, %swap3A_256] {strides = array<i32>} : memref<96x256xf32, #tpu.memory_space<vmem>>, vector<1x16xf32>,
      %swap3A_258 = vector.shape_cast %swap3A_257 : vector<1x16xf32> to vector<16xf32>
      %swap3A_259 = vector.shape_cast %mul3A_254 : vector<16xf32> to vector<1x16xf32>
      tpu.vector_store %arg8[%swap3A_255, %swap3A_256], %swap3A_259 {strides = array<i32>} : memref<96x256xf32, #tpu.memory_space<vmem>>, vector<1x16xf32>,
      %get3A_260 = arith.index_cast %scan3A_127 : i32 to index
      %get3A_261 = arith.constant 112 : index
      %get3A_262 = tpu.vector_load %arg8[%get3A_260, %get3A_261] {strides = array<i32>} : memref<96x256xf32, #tpu.memory_space<vmem>>, vector<1x16xf32>,
      %get3A_263 = vector.shape_cast %get3A_262 : vector<1x16xf32> to vector<16xf32>
      %add3A_264 = arith.constant 192 : i32
      %add3A_265 = arith.addi %add3A_264, %scan3A_127 : i32
      %get3A_266 = arith.index_cast %add3A_265 : i32 to index
      %get3A_267 = arith.constant 112 : index
      %get3A_268 = tpu.vector_load %arg7[%get3A_266, %get3A_267] {strides = array<i32>} : memref<288x256xf32, #tpu.memory_space<vmem>>, vector<1x16xf32>,
      %get3A_269 = vector.shape_cast %get3A_268 : vector<1x16xf32> to vector<16xf32>
      %add3A_270 = arith.constant 1.000000e+00 : f32
      %add3A_271 = vector.broadcast %add3A_270 : f32 to vector<16xf32>
      %add3A_272 = arith.addf %get3A_269, %add3A_271 : vector<16xf32>
      %mul3A_273 = arith.mulf %get3A_263, %add3A_272 : vector<16xf32>
      %swap3A_274 = arith.index_cast %scan3A_127 : i32 to index
      %swap3A_275 = arith.constant 112 : index
      %swap3A_276 = tpu.vector_load %arg8[%swap3A_274, %swap3A_275] {strides = array<i32>} : memref<96x256xf32, #tpu.memory_space<vmem>>, vector<1x16xf32>,
      %swap3A_277 = vector.shape_cast %swap3A_276 : vector<1x16xf32> to vector<16xf32>
      %swap3A_278 = vector.shape_cast %mul3A_273 : vector<16xf32> to vector<1x16xf32>
      tpu.vector_store %arg8[%swap3A_274, %swap3A_275], %swap3A_278 {strides = array<i32>} : memref<96x256xf32, #tpu.memory_space<vmem>>, vector<1x16xf32>,
      %get3A_279 = arith.index_cast %scan3A_127 : i32 to index
      %get3A_280 = arith.constant 128 : index
      %get3A_281 = tpu.vector_load %arg8[%get3A_279, %get3A_280] {strides = array<i32>} : memref<96x256xf32, #tpu.memory_space<vmem>>, vector<1x16xf32>,
      %get3A_282 = vector.shape_cast %get3A_281 : vector<1x16xf32> to vector<16xf32>
      %add3A_283 = arith.constant 192 : i32
      %add3A_284 = arith.addi %add3A_283, %scan3A_127 : i32
      %get3A_285 = arith.index_cast %add3A_284 : i32 to index
      %get3A_286 = arith.constant 128 : index
      %get3A_287 = tpu.vector_load %arg7[%get3A_285, %get3A_286] {strides = array<i32>} : memref<288x256xf32, #tpu.memory_space<vmem>>, vector<1x16xf32>,
      %get3A_288 = vector.shape_cast %get3A_287 : vector<1x16xf32> to vector<16xf32>
      %add3A_289 = arith.constant 1.000000e+00 : f32
      %add3A_290 = vector.broadcast %add3A_289 : f32 to vector<16xf32>
      %add3A_291 = arith.addf %get3A_288, %add3A_290 : vector<16xf32>
      %mul3A_292 = arith.mulf %get3A_282, %add3A_291 : vector<16xf32>
      %swap3A_293 = arith.index_cast %scan3A_127 : i32 to index
      %swap3A_294 = arith.constant 128 : index
      %swap3A_295 = tpu.vector_load %arg8[%swap3A_293, %swap3A_294] {strides = array<i32>} : memref<96x256xf32, #tpu.memory_space<vmem>>, vector<1x16xf32>,
      %swap3A_296 = vector.shape_cast %swap3A_295 : vector<1x16xf32> to vector<16xf32>
      %swap3A_297 = vector.shape_cast %mul3A_292 : vector<16xf32> to vector<1x16xf32>
      tpu.vector_store %arg8[%swap3A_293, %swap3A_294], %swap3A_297 {strides = array<i32>} : memref<96x256xf32, #tpu.memory_space<vmem>>, vector<1x16xf32>,
      %get3A_298 = arith.index_cast %scan3A_127 : i32 to index
      %get3A_299 = arith.constant 144 : index
      %get3A_300 = tpu.vector_load %arg8[%get3A_298, %get3A_299] {strides = array<i32>} : memref<96x256xf32, #tpu.memory_space<vmem>>, vector<1x16xf32>,
      %get3A_301 = vector.shape_cast %get3A_300 : vector<1x16xf32> to vector<16xf32>
      %add3A_302 = arith.constant 192 : i32
      %add3A_303 = arith.addi %add3A_302, %scan3A_127 : i32
      %get3A_304 = arith.index_cast %add3A_303 : i32 to index
      %get3A_305 = arith.constant 144 : index
      %get3A_306 = tpu.vector_load %arg7[%get3A_304, %get3A_305] {strides = array<i32>} : memref<288x256xf32, #tpu.memory_space<vmem>>, vector<1x16xf32>,
      %get3A_307 = vector.shape_cast %get3A_306 : vector<1x16xf32> to vector<16xf32>
      %add3A_308 = arith.constant 1.000000e+00 : f32
      %add3A_309 = vector.broadcast %add3A_308 : f32 to vector<16xf32>
      %add3A_310 = arith.addf %get3A_307, %add3A_309 : vector<16xf32>
      %mul3A_311 = arith.mulf %get3A_301, %add3A_310 : vector<16xf32>
      %swap3A_312 = arith.index_cast %scan3A_127 : i32 to index
      %swap3A_313 = arith.constant 144 : index
      %swap3A_314 = tpu.vector_load %arg8[%swap3A_312, %swap3A_313] {strides = array<i32>} : memref<96x256xf32, #tpu.memory_space<vmem>>, vector<1x16xf32>,
      %swap3A_315 = vector.shape_cast %swap3A_314 : vector<1x16xf32> to vector<16xf32>
      %swap3A_316 = vector.shape_cast %mul3A_311 : vector<16xf32> to vector<1x16xf32>
      tpu.vector_store %arg8[%swap3A_312, %swap3A_313], %swap3A_316 {strides = array<i32>} : memref<96x256xf32, #tpu.memory_space<vmem>>, vector<1x16xf32>,
      %get3A_317 = arith.index_cast %scan3A_127 : i32 to index
      %get3A_318 = arith.constant 160 : index
      %get3A_319 = tpu.vector_load %arg8[%get3A_317, %get3A_318] {strides = array<i32>} : memref<96x256xf32, #tpu.memory_space<vmem>>, vector<1x16xf32>,
      %get3A_320 = vector.shape_cast %get3A_319 : vector<1x16xf32> to vector<16xf32>
      %add3A_321 = arith.constant 192 : i32
      %add3A_322 = arith.addi %add3A_321, %scan3A_127 : i32
      %get3A_323 = arith.index_cast %add3A_322 : i32 to index
      %get3A_324 = arith.constant 160 : index
      %get3A_325 = tpu.vector_load %arg7[%get3A_323, %get3A_324] {strides = array<i32>} : memref<288x256xf32, #tpu.memory_space<vmem>>, vector<1x16xf32>,
      %get3A_326 = vector.shape_cast %get3A_325 : vector<1x16xf32> to vector<16xf32>
      %add3A_327 = arith.constant 1.000000e+00 : f32
      %add3A_328 = vector.broadcast %add3A_327 : f32 to vector<16xf32>
      %add3A_329 = arith.addf %get3A_326, %add3A_328 : vector<16xf32>
      %mul3A_330 = arith.mulf %get3A_320, %add3A_329 : vector<16xf32>
      %swap3A_331 = arith.index_cast %scan3A_127 : i32 to index
      %swap3A_332 = arith.constant 160 : index
      %swap3A_333 = tpu.vector_load %arg8[%swap3A_331, %swap3A_332] {strides = array<i32>} : memref<96x256xf32, #tpu.memory_space<vmem>>, vector<1x16xf32>,
      %swap3A_334 = vector.shape_cast %swap3A_333 : vector<1x16xf32> to vector<16xf32>
      %swap3A_335 = vector.shape_cast %mul3A_330 : vector<16xf32> to vector<1x16xf32>
      tpu.vector_store %arg8[%swap3A_331, %swap3A_332], %swap3A_335 {strides = array<i32>} : memref<96x256xf32, #tpu.memory_space<vmem>>, vector<1x16xf32>,
      %get3A_336 = arith.index_cast %scan3A_127 : i32 to index
      %get3A_337 = arith.constant 176 : index
      %get3A_338 = tpu.vector_load %arg8[%get3A_336, %get3A_337] {strides = array<i32>} : memref<96x256xf32, #tpu.memory_space<vmem>>, vector<1x16xf32>,
      %get3A_339 = vector.shape_cast %get3A_338 : vector<1x16xf32> to vector<16xf32>
      %add3A_340 = arith.constant 192 : i32
      %add3A_341 = arith.addi %add3A_340, %scan3A_127 : i32
      %get3A_342 = arith.index_cast %add3A_341 : i32 to index
      %get3A_343 = arith.constant 176 : index
      %get3A_344 = tpu.vector_load %arg7[%get3A_342, %get3A_343] {strides = array<i32>} : memref<288x256xf32, #tpu.memory_space<vmem>>, vector<1x16xf32>,
      %get3A_345 = vector.shape_cast %get3A_344 : vector<1x16xf32> to vector<16xf32>
      %add3A_346 = arith.constant 1.000000e+00 : f32
      %add3A_347 = vector.broadcast %add3A_346 : f32 to vector<16xf32>
      %add3A_348 = arith.addf %get3A_345, %add3A_347 : vector<16xf32>
      %mul3A_349 = arith.mulf %get3A_339, %add3A_348 : vector<16xf32>
      %swap3A_350 = arith.index_cast %scan3A_127 : i32 to index
      %swap3A_351 = arith.constant 176 : index
      %swap3A_352 = tpu.vector_load %arg8[%swap3A_350, %swap3A_351] {strides = array<i32>} : memref<96x256xf32, #tpu.memory_space<vmem>>, vector<1x16xf32>,
      %swap3A_353 = vector.shape_cast %swap3A_352 : vector<1x16xf32> to vector<16xf32>
      %swap3A_354 = vector.shape_cast %mul3A_349 : vector<16xf32> to vector<1x16xf32>
      tpu.vector_store %arg8[%swap3A_350, %swap3A_351], %swap3A_354 {strides = array<i32>} : memref<96x256xf32, #tpu.memory_space<vmem>>, vector<1x16xf32>,
      %get3A_355 = arith.index_cast %scan3A_127 : i32 to index
      %get3A_356 = arith.constant 192 : index
      %get3A_357 = tpu.vector_load %arg8[%get3A_355, %get3A_356] {strides = array<i32>} : memref<96x256xf32, #tpu.memory_space<vmem>>, vector<1x16xf32>,
      %get3A_358 = vector.shape_cast %get3A_357 : vector<1x16xf32> to vector<16xf32>
      %add3A_359 = arith.constant 192 : i32
      %add3A_360 = arith.addi %add3A_359, %scan3A_127 : i32
      %get3A_361 = arith.index_cast %add3A_360 : i32 to index
      %get3A_362 = arith.constant 192 : index
      %get3A_363 = tpu.vector_load %arg7[%get3A_361, %get3A_362] {strides = array<i32>} : memref<288x256xf32, #tpu.memory_space<vmem>>, vector<1x16xf32>,
      %get3A_364 = vector.shape_cast %get3A_363 : vector<1x16xf32> to vector<16xf32>
      %add3A_365 = arith.constant 1.000000e+00 : f32
      %add3A_366 = vector.broadcast %add3A_365 : f32 to vector<16xf32>
      %add3A_367 = arith.addf %get3A_364, %add3A_366 : vector<16xf32>
      %mul3A_368 = arith.mulf %get3A_358, %add3A_367 : vector<16xf32>
      %swap3A_369 = arith.index_cast %scan3A_127 : i32 to index
      %swap3A_370 = arith.constant 192 : index
      %swap3A_371 = tpu.vector_load %arg8[%swap3A_369, %swap3A_370] {strides = array<i32>} : memref<96x256xf32, #tpu.memory_space<vmem>>, vector<1x16xf32>,
      %swap3A_372 = vector.shape_cast %swap3A_371 : vector<1x16xf32> to vector<16xf32>
      %swap3A_373 = vector.shape_cast %mul3A_368 : vector<16xf32> to vector<1x16xf32>
      tpu.vector_store %arg8[%swap3A_369, %swap3A_370], %swap3A_373 {strides = array<i32>} : memref<96x256xf32, #tpu.memory_space<vmem>>, vector<1x16xf32>,
      %get3A_374 = arith.index_cast %scan3A_127 : i32 to index
      %get3A_375 = arith.constant 208 : index
      %get3A_376 = tpu.vector_load %arg8[%get3A_374, %get3A_375] {strides = array<i32>} : memref<96x256xf32, #tpu.memory_space<vmem>>, vector<1x16xf32>,
      %get3A_377 = vector.shape_cast %get3A_376 : vector<1x16xf32> to vector<16xf32>
      %add3A_378 = arith.constant 192 : i32
      %add3A_379 = arith.addi %add3A_378, %scan3A_127 : i32
      %get3A_380 = arith.index_cast %add3A_379 : i32 to index
      %get3A_381 = arith.constant 208 : index
      %get3A_382 = tpu.vector_load %arg7[%get3A_380, %get3A_381] {strides = array<i32>} : memref<288x256xf32, #tpu.memory_space<vmem>>, vector<1x16xf32>,
      %get3A_383 = vector.shape_cast %get3A_382 : vector<1x16xf32> to vector<16xf32>
      %add3A_384 = arith.constant 1.000000e+00 : f32
      %add3A_385 = vector.broadcast %add3A_384 : f32 to vector<16xf32>
      %add3A_386 = arith.addf %get3A_383, %add3A_385 : vector<16xf32>
      %mul3A_387 = arith.mulf %get3A_377, %add3A_386 : vector<16xf32>
      %swap3A_388 = arith.index_cast %scan3A_127 : i32 to index
      %swap3A_389 = arith.constant 208 : index
      %swap3A_390 = tpu.vector_load %arg8[%swap3A_388, %swap3A_389] {strides = array<i32>} : memref<96x256xf32, #tpu.memory_space<vmem>>, vector<1x16xf32>,
      %swap3A_391 = vector.shape_cast %swap3A_390 : vector<1x16xf32> to vector<16xf32>
      %swap3A_392 = vector.shape_cast %mul3A_387 : vector<16xf32> to vector<1x16xf32>
      tpu.vector_store %arg8[%swap3A_388, %swap3A_389], %swap3A_392 {strides = array<i32>} : memref<96x256xf32, #tpu.memory_space<vmem>>, vector<1x16xf32>,
      %get3A_393 = arith.index_cast %scan3A_127 : i32 to index
      %get3A_394 = arith.constant 224 : index
      %get3A_395 = tpu.vector_load %arg8[%get3A_393, %get3A_394] {strides = array<i32>} : memref<96x256xf32, #tpu.memory_space<vmem>>, vector<1x16xf32>,
      %get3A_396 = vector.shape_cast %get3A_395 : vector<1x16xf32> to vector<16xf32>
      %add3A_397 = arith.constant 192 : i32
      %add3A_398 = arith.addi %add3A_397, %scan3A_127 : i32
      %get3A_399 = arith.index_cast %add3A_398 : i32 to index
      %get3A_400 = arith.constant 224 : index
      %get3A_401 = tpu.vector_load %arg7[%get3A_399, %get3A_400] {strides = array<i32>} : memref<288x256xf32, #tpu.memory_space<vmem>>, vector<1x16xf32>,
      %get3A_402 = vector.shape_cast %get3A_401 : vector<1x16xf32> to vector<16xf32>
      %add3A_403 = arith.constant 1.000000e+00 : f32
      %add3A_404 = vector.broadcast %add3A_403 : f32 to vector<16xf32>
      %add3A_405 = arith.addf %get3A_402, %add3A_404 : vector<16xf32>
      %mul3A_406 = arith.mulf %get3A_396, %add3A_405 : vector<16xf32>
      %swap3A_407 = arith.index_cast %scan3A_127 : i32 to index
      %swap3A_408 = arith.constant 224 : index
      %swap3A_409 = tpu.vector_load %arg8[%swap3A_407, %swap3A_408] {strides = array<i32>} : memref<96x256xf32, #tpu.memory_space<vmem>>, vector<1x16xf32>,
      %swap3A_410 = vector.shape_cast %swap3A_409 : vector<1x16xf32> to vector<16xf32>
      %swap3A_411 = vector.shape_cast %mul3A_406 : vector<16xf32> to vector<1x16xf32>
      tpu.vector_store %arg8[%swap3A_407, %swap3A_408], %swap3A_411 {strides = array<i32>} : memref<96x256xf32, #tpu.memory_space<vmem>>, vector<1x16xf32>,
      %get3A_412 = arith.index_cast %scan3A_127 : i32 to index
      %get3A_413 = arith.constant 240 : index
      %get3A_414 = tpu.vector_load %arg8[%get3A_412, %get3A_413] {strides = array<i32>} : memref<96x256xf32, #tpu.memory_space<vmem>>, vector<1x16xf32>,
      %get3A_415 = vector.shape_cast %get3A_414 : vector<1x16xf32> to vector<16xf32>
      %add3A_416 = arith.constant 192 : i32
      %add3A_417 = arith.addi %add3A_416, %scan3A_127 : i32
      %get3A_418 = arith.index_cast %add3A_417 : i32 to index
      %get3A_419 = arith.constant 240 : index
      %get3A_420 = tpu.vector_load %arg7[%get3A_418, %get3A_419] {strides = array<i32>} : memref<288x256xf32, #tpu.memory_space<vmem>>, vector<1x16xf32>,
      %get3A_421 = vector.shape_cast %get3A_420 : vector<1x16xf32> to vector<16xf32>
      %add3A_422 = arith.constant 1.000000e+00 : f32
      %add3A_423 = vector.broadcast %add3A_422 : f32 to vector<16xf32>
      %add3A_424 = arith.addf %get3A_421, %add3A_423 : vector<16xf32>
      %mul3A_425 = arith.mulf %get3A_415, %add3A_424 : vector<16xf32>
      %swap3A_426 = arith.index_cast %scan3A_127 : i32 to index
      %swap3A_427 = arith.constant 240 : index
      %swap3A_428 = tpu.vector_load %arg8[%swap3A_426, %swap3A_427] {strides = array<i32>} : memref<96x256xf32, #tpu.memory_space<vmem>>, vector<1x16xf32>,
      %swap3A_429 = vector.shape_cast %swap3A_428 : vector<1x16xf32> to vector<16xf32>
      %swap3A_430 = vector.shape_cast %mul3A_425 : vector<16xf32> to vector<1x16xf32>
      tpu.vector_store %arg8[%swap3A_426, %swap3A_427], %swap3A_430 {strides = array<i32>} : memref<96x256xf32, #tpu.memory_space<vmem>>, vector<1x16xf32>,
      %scan3A_431 = arith.constant 0 : i32
      scf.yield %scan3A_431 : i32
    }
    %scan3A_112 = arith.constant 96 : i32
    %add3A_113 = arith.constant 192 : i32
    %add3A_114 = arith.addi %mul3A_2, %add3A_113 : i32
    %dma_start3A_115 = arith.constant 0 : i32
    %dma_start3A_116 = tpu.memref_slice %arg5[%add3A_114, %dma_start3A_115] : memref<9216x256xf32, #tpu.memory_space<hbm>> -> memref<96x256xf32, #tpu.memory_space<hbm>>
    %dma_start3A_117 = arith.constant 0 : i32
    %dma_start3A_118 = tpu.memref_slice %arg5[%add3A_114, %dma_start3A_117] : memref<9216x256xf32, #tpu.memory_space<hbm>> -> memref<96x256xf32, #tpu.memory_space<hbm>>
    tpu.enqueue_dma source(%arg8 : memref<96x256xf32, #tpu.memory_space<vmem>>) target(%dma_start3A_118 : memref<96x256xf32, #tpu.memory_space<hbm>>) target_semaphore(%arg15 : memref<!tpu.dma_semaphore, #tpu.memory_space<semaphore_mem>>)
    %dma_wait3A_119 = arith.constant 0 : i32
    %dma_wait3A_120 = tpu.memref_slice %arg5[%add3A_89, %dma_wait3A_119] : memref<9216x256xf32, #tpu.memory_space<hbm>> -> memref<96x256xf32, #tpu.memory_space<hbm>>
    %dma_wait3A_121 = arith.constant 0 : i32
    %dma_wait3A_122 = tpu.memref_slice %arg5[%add3A_89, %dma_wait3A_121] : memref<9216x256xf32, #tpu.memory_space<hbm>> -> memref<96x256xf32, #tpu.memory_space<hbm>>
    tpu.wait_dma2 semaphore(%arg16 : memref<!tpu.dma_semaphore, #tpu.memory_space<semaphore_mem>>) src(%arg9 : memref<96x256xf32, #tpu.memory_space<vmem>>) dst(%dma_wait3A_122 : memref<96x256xf32, #tpu.memory_space<hbm>>)
    %dma_wait3A_123 = arith.constant 0 : i32
    %dma_wait3A_124 = tpu.memref_slice %arg5[%add3A_114, %dma_wait3A_123] : memref<9216x256xf32, #tpu.memory_space<hbm>> -> memref<96x256xf32, #tpu.memory_space<hbm>>
    %dma_wait3A_125 = arith.constant 0 : i32
    %dma_wait3A_126 = tpu.memref_slice %arg5[%add3A_114, %dma_wait3A_125] : memref<9216x256xf32, #tpu.memory_space<hbm>> -> memref<96x256xf32, #tpu.memory_space<hbm>>
    tpu.wait_dma2 semaphore(%arg15 : memref<!tpu.dma_semaphore, #tpu.memory_space<semaphore_mem>>) src(%arg8 : memref<96x256xf32, #tpu.memory_space<vmem>>) dst(%dma_wait3A_126 : memref<96x256xf32, #tpu.memory_space<hbm>>)
    return
  }
}

module attributes {stable_mosaic.version = 14 : i64} {
  func.func @_argmax_body(%arg0: i32, %arg1: memref<1024x256xf32, #tpu.memory_space<vmem>>, %arg2: memref<1024x256xf32, #tpu.memory_space<vmem>>, %arg3: memref<1024xi32, #tpu.memory_space<vmem>>, %arg4: memref<1024x256xbf16, #tpu.memory_space<vmem>>) attributes {dimension_semantics = [#tpu.dimension_semantics<arbitrary>], iteration_bounds = array<i64: 9>, scalar_prefetch = 0 : i64, scratch_operands = 1 : i64, tpu.core_type = #tpu.core_type<tc>, window_params = [{transform_indices = @transform_0, window_bounds = array<i64: 1024, 256>}, {pipeline_mode = #tpu.pipeline_mode<synchronous>, transform_indices = @transform_1, window_bounds = array<i64: 1024, 256>}, {transform_indices = @transform_2, window_bounds = array<i64: 1024>}]} {
    %eq3A = arith.constant 0 : i32
    %eq3A_0 = arith.cmpi eq, %arg0, %eq3A : i32
    %convert_element_type3A = arith.extui %eq3A_0 : i1 to i32
    %cond3A = arith.constant 0 : i32
    %cond3A_1 = arith.cmpi ne, %convert_element_type3A, %cond3A : i32
    scf.if %cond3A_1 {
      %get3A_10 = arith.constant 0 : index
      %get3A_11 = arith.constant 0 : index
      %get3A_12 = vector.load %arg2[%get3A_10, %get3A_11] : memref<1024x256xf32, #tpu.memory_space<vmem>>, vector<1024x256xf32>
      %mul3A = arith.mulf %get3A_12, %get3A_12 : vector<1024x256xf32>
      %reduce_sum3A = arith.constant dense<0.000000e+00> : vector<1024xf32>
      %reduce_sum3A_13 = vector.multi_reduction <add>, %mul3A, %reduce_sum3A [1] : vector<1024x256xf32> to vector<1024xf32>
      %max3A = arith.constant 1.000000e-24 : f32
      %max3A_14 = vector.broadcast %max3A : f32 to vector<1024xf32>
      %max3A_15 = arith.maximumf %reduce_sum3A_13, %max3A_14 : vector<1024xf32>
      %rsqrt3A = math.rsqrt %max3A_15 : vector<1024xf32>
      %broadcast_in_dim3A = vector.shape_cast %rsqrt3A : vector<1024xf32> to vector<1024x1xf32>
      %mul3A_16 = vector.broadcast %broadcast_in_dim3A : vector<1024x1xf32> to vector<1024x256xf32>
      %mul3A_17 = arith.mulf %get3A_12, %mul3A_16 : vector<1024x256xf32>
      %convert_element_type3A_18 = arith.truncf %mul3A_17 : vector<1024x256xf32> to vector<1024x256xbf16>
      %swap3A_19 = arith.constant 0 : index
      %swap3A_20 = arith.constant 0 : index
      %swap3A_21 = vector.load %arg4[%swap3A_19, %swap3A_20] : memref<1024x256xbf16, #tpu.memory_space<vmem>>, vector<1024x256xbf16>
      tpu.vector_store %arg4[%swap3A_19, %swap3A_20], %convert_element_type3A_18 {strides = array<i32>} : memref<1024x256xbf16, #tpu.memory_space<vmem>>, vector<1024x256xbf16>,
    } else {
    }
    %get3A = arith.constant 0 : index
    %get3A_2 = arith.constant 0 : index
    %get3A_3 = vector.load %arg1[%get3A, %get3A_2] : memref<1024x256xf32, #tpu.memory_space<vmem>>, vector<1024x256xf32>
    %convert_element_type3A_4 = arith.truncf %get3A_3 : vector<1024x256xf32> to vector<1024x256xbf16>
    %get3A_5 = arith.constant 0 : index
    %get3A_6 = arith.constant 0 : index
    %get3A_7 = vector.load %arg4[%get3A_5, %get3A_6] : memref<1024x256xbf16, #tpu.memory_space<vmem>>, vector<1024x256xbf16>
    %dot_general3A = arith.constant dense<0.000000e+00> : vector<1024x1024xf32>
    %dot_general3A_8 = tpu.matmul %convert_element_type3A_4, %get3A_7, %dot_general3A {dimension_numbers = #tpu.dot_dimension_numbers<[1], [1], [0], [0], [0, 0, 1, 0], [], []>, transpose_lhs_hint = false} : vector<1024x256xbf16>, vector<1024x256xbf16>, vector<1024x1024xf32> -> vector<1024x1024xf32>
    %argmax3A = tpu.reduce_index %dot_general3A_8 {axis = 1 : i32, kind = #tpu.reduction_kind<arg_max>} : vector<1024x1024xf32> -> vector<1024xi32>
    %swap3A = arith.constant 0 : index
    %swap3A_9 = vector.load %arg3[%swap3A] : memref<1024xi32, #tpu.memory_space<vmem>>, vector<1024xi32>
    tpu.vector_store %arg3[%swap3A], %argmax3A {strides = array<i32>} : memref<1024xi32, #tpu.memory_space<vmem>>, vector<1024xi32>,
    return
  }
  func.func @transform_0(%arg0: i32) -> (i32, i32) {
    %c0_i32 = arith.constant 0 : i32
    %c0_i32_0 = arith.constant 0 : i32
    return %arg0, %c0_i32 : i32, i32
  }
  func.func @transform_1(%arg0: i32) -> (i32, i32) {
    %c0_i32 = arith.constant 0 : i32
    %c0_i32_0 = arith.constant 0 : i32
    %c0_i32_1 = arith.constant 0 : i32
    return %c0_i32, %c0_i32_0 : i32, i32
  }
  func.func @transform_2(%arg0: i32) -> i32 {
    %c0_i32 = arith.constant 0 : i32
    return %arg0 : i32
  }
}

</mosaic_0001>

<sc_bundles>
// kernel: kernel.4.cloned.1.call-start
scs
__scs_entry_jumppad:
0x0: {  	(pc) =	sbr.rel $0x88, $3  }
0x1: {  	(tag) =	ssettag $0x0;
	lr =	simm.s32 $0x1  }
0x2: {  	[smem:$0x3F9D] =	sst lr;
	_ =	strace $0xD0000000  }
0x3: {  	_ = 	snop  }
0x4: {  	_ = 	snop  }
0x5: {  	_ = 	snop  }
0x6: {  	_ = 	snop  }
0x7: {  	_ = 	snop  }
__scs_overlays_trampoline_lowered:
0x8: {  	[smem:$0x3FAC] =	sst s0  }
0x9: {  	[smem:$0x3FAD] =	sst s1  }
0xa: {  	[smem:$0x3FAE] =	sst s2  }
0xb: {  	[smem:$0x3FAF] =	sst s3  }
0xc: {  	[smem:$0x3FB0] =	sst s4  }
0xd: {  	[smem:$0x3FB1] =	sst s5  }
0xe: {  	[smem:$0x3FB2] =	sst s6  }
0xf: {  	[smem:$0x3FB3] =	sst s7  }
0x10: {  	[smem:$0x3FB4] =	sst s8  }
0x11: {  	[smem:$0x3FB5] =	sst s9;
	s0 =	simm.s32 @!p0 $0x0  }
0x12: {  	s1 =	sld [smem:$0x3F9B];
	s0 =	simm.s32 @p0 $0x1  }
0x13: {  	[smem:$0x3FB6] =	sst s0;
	s0 =	simm.s32 @!p1 $0x0  }
0x14: {  	s2 =	sld [smem:$0x3F9A];
	s0 =	simm.s32 @p1 $0x1  }
0x15: {  	[smem:$0x3FB7] =	sst s0;
	s0 =	simm.s32 @!p2 $0x0  }
0x16: {  	s3 =	sld [smem:$0x3FDB];
	s0 =	simm.s32 @p2 $0x1  }
0x17: {  	s4 =	simm.s32 $0x1BF5;
	[smem:$0x3FB9] =	sst s0  }
0x18: {  	s0 =	sld [smem:$0x3F9C];
	_ =	swait.ge [sflag:s4], $0x0  }
0x19: {  	s7 =	sld [smem:$0x3F9D]  }
0x1a: {  	s8 =	sadd.s32 $0xFFFFE003, lr  }
0x1b: {  	s9 =	sadd.s32 $0xFFFFFEF7, lr;
	s5 =	simm.s32 $0xFFFFFFFF;
	p2 =	slt.u32 s8, $0xFFFFF086  }
0x1c: {  	p1 =	slt.u32 s9, $0xF7A;
	s5 =	simm.s32 @!p2 $0x0  }
0x1d: {  	s5 =	simm.s32 @p1 $0x1;
	p0 =	seq.s32 s7, s2  }
0x1e: {  	s7 =	smul.u32 @!p0 $0xF7A, s2;
	p2 =	seq.s32 @!p0 s5, $0x0  }
0x1f: {  	s9 =	smul.u32 $0xF7A, s1;
	s8 =	simm.s32 @!p0 $0x1BF5;
	p2 =	por !p2, p0  }
0x20: {  	[sflag:s8] =	ssyncset.s32 @!p0 $0xFFFFF086;
	s6 =	sadd.s32 @!p0 s3, s7;
	s7 =	simm.s32 @!p0 $0x108  }
0x21: {  	s3 =	sadd.s32 s3, s9;
	s6 =	sadd.s32 @!p0 $0x88, s6;
	s7 =	simm.s32 @p2 $0x1082  }
0x22: {  	[simem:s7], [sflag:s8] =	dma.local @!p0 [hbm:s6], $0xF7A  }
0x23: {  	s9 =	sor.u32 $0xD0000000, s2;
	s6 =	simm.s32 $0x108;
	_ =	swait.ge @!p0 [sflag:s8], $0x0  }
0x24: {  	s3 =	sadd.s32 $0x88, s3;
	s6 =	simm.s32 @!p1 $0x1082;
	[sflag:s4] =	ssyncset.s32 $0xFFFFF086  }
0x25: {  	[simem:s6], [sflag:s4] =	dma.local [hbm:s3], $0xF7A  }
0x26: {  	[smem:$0x3F9D] =	sst s1;
	(tag) =	ssettag s2;
	_ =	strace s9  }
0x27: {  	s1 =	sld [smem:$0x3FAD]  }
0x28: {  	s2 =	sld [smem:$0x3FAE]  }
0x29: {  	s4 =	sld [smem:$0x3FB0]  }
0x2a: {  	p0 =	seq.s32 s5, $0x0;
	s5 =	sld [smem:$0x3FB1]  }
0x2b: {  	s6 =	sld [smem:$0x3FB2]  }
0x2c: {  	s7 =	sld [smem:$0x3FB3]  }
0x2d: {  	s3 =	simm.s32 $0x108;
	s8 =	sld [smem:$0x3FB4]  }
0x2e: {  	s3 =	simm.s32 @!p0 $0x1082;
	s9 =	sld [smem:$0x3FB5]  }
0x2f: {  	lr =	sadd.s32 s0, s3;
	s0 =	sld [smem:$0x3FAC]  }
0x30: {  	s3 =	sld [smem:$0x3FAF]  }
0x31: {  	[smem:$0x3FB8] =	sst s10  }
0x32: {  	s10 =	sld [smem:$0x3FB6];
	_ =	sdelay $0x3  }
0x33: {  	p0 =	seq.s32 s10, $0x1;
	s10 =	sld [smem:$0x3FB8];
	_ =	sdelay $0x3  }
0x34: {  	[smem:$0x3FB8] =	sst s10  }
0x35: {  	s10 =	sld [smem:$0x3FB7];
	_ =	sdelay $0x3  }
0x36: {  	p1 =	seq.s32 s10, $0x1;
	s10 =	sld [smem:$0x3FB8];
	_ =	sdelay $0x3  }
0x37: {  	[smem:$0x3FB8] =	sst s10  }
0x38: {  	s10 =	sld [smem:$0x3FB9]  }
0x39: {  	_ = 	snop;
	(pc) =	sbr.ind lr, $3  }
0x3a: {  	_ = 	snop  }
0x3b: {  	_ = 	snop  }
0x3c: {  	p2 =	seq.s32 s10, $0x1;
	s10 =	sld [smem:$0x3FB8]  }
0x3d: {  	_ =	shalt  }
0x3e: {  	_ =	shalt  }
0x3f: {  	_ =	shalt  }
0x40: {  	_ =	shalt  }
0x41: {  	_ =	shalt  }
0x42: {  	_ =	shalt  }
0x43: {  	_ =	shalt  }
0x44: {  	_ =	shalt  }
0x45: {  	_ =	shalt  }
0x46: {  	_ =	shalt  }
0x47: {  	_ =	shalt  }
0x48: {  	_ =	shalt  }
0x49: {  	_ =	shalt  }
0x4a: {  	_ =	shalt  }
0x4b: {  	_ =	shalt  }
0x4c: {  	_ =	shalt  }
0x4d: {  	_ =	shalt  }
0x4e: {  	_ =	shalt  }
0x4f: {  	_ =	shalt  }
0x50: {  	_ =	shalt  }
0x51: {  	_ =	shalt  }
0x52: {  	_ =	shalt  }
0x53: {  	_ =	shalt  }
0x54: {  	_ =	shalt  }
0x55: {  	_ =	shalt  }
0x56: {  	_ =	shalt  }
0x57: {  	_ =	shalt  }
0x58: {  	_ =	shalt  }
0x59: {  	_ =	shalt  }
0x5a: {  	_ =	shalt  }
0x5b: {  	_ =	shalt  }
0x5c: {  	_ =	shalt  }
0x5d: {  	_ =	shalt  }
0x5e: {  	_ =	shalt  }
0x5f: {  	_ =	shalt  }
0x60: {  	_ =	shalt  }
0x61: {  	_ =	shalt  }
0x62: {  	_ =	shalt  }
0x63: {  	_ =	shalt  }
0x64: {  	_ =	shalt  }
0x65: {  	_ =	shalt  }
0x66: {  	_ =	shalt  }
0x67: {  	_ =	shalt  }
0x68: {  	_ =	shalt  }
0x69: {  	_ =	shalt  }
0x6a: {  	_ =	shalt  }
0x6b: {  	_ =	shalt  }
0x6c: {  	_ =	shalt  }
0x6d: {  	_ =	shalt  }
0x6e: {  	_ =	shalt  }
0x6f: {  	_ =	shalt  }
0x70: {  	_ =	shalt  }
0x71: {  	_ =	shalt  }
0x72: {  	_ =	shalt  }
0x73: {  	_ =	shalt  }
0x74: {  	_ =	shalt  }
0x75: {  	_ =	shalt  }
0x76: {  	_ =	shalt  }
0x77: {  	_ =	shalt  }
0x78: {  	_ =	shalt  }
0x79: {  	_ =	shalt  }
0x7a: {  	_ =	shalt  }
0x7b: {  	_ =	shalt  }
0x7c: {  	_ =	shalt  }
0x7d: {  	_ =	shalt  }
0x7e: {  	_ =	shalt  }
0x7f: {  	_ =	shalt  }
0x80: {  	_ =	shalt  }
0x81: {  	_ =	shalt  }
0x82: {  	_ =	shalt  }
0x83: {  	_ =	shalt  }
0x84: {  	_ =	shalt  }
0x85: {  	_ =	shalt  }
0x86: {  	_ =	shalt  }
0x87: {  	_ =	shalt  }
.Lfunc_end0:
.L_simem_size_0:
called_computation_lowered:
.L_overlay_start_0:
0x88: {  	s2 =	sld [smem:$0x3FD9]  }
0x89: {  	s3 =	sld [smem:$0x3FFE];
	_ =	sdelay $0x1  }
0x8a: {  	s1 =	srdreg.scid  }
0x8b: {  	s0 =	sand.u32 $0x1, s1  }
0x8c: {  	s17 =	sshll.u32 s0, $0xA;
	s2 =	sadd.s32 s3, s2  }
0x8d: {  	s2 =	sadd.s32 s2, s17  }
0x8e: {  	[smem:$0x3FC4] =	sst s2  }
0x8f: {  	_ = 	snop  }
0x90: {  	s2 =	sld [smem:$0x3FC8]  }
0x91: {  	s18 =	sld [smem:$0x3FC6]  }
0x92: {  	s4 =	sld [smem:$0x3FD0];
	(tm) =	ssettm $0x1  }
0x93: {  	s5 =	sld [smem:$0x3FFB];
	_ =	sdelay $0x3  }
0x94: {  	_ =	strace s5  }
0x95: {  	s5 =	sld [smem:$0x3FFC];
	_ =	sdelay $0x3  }
0x96: {  	_ =	strace s5  }
0x97: {  	s5 =	sld [smem:$0x3FFD];
	_ =	sdelay $0x3  }
0x98: {  	_ =	strace s5  }
0x99: {  	_ =	strace $0x8FFFFFFF  }
0x9a: {  	s19 =	sld [smem:$0x3FDB];
	_ =	sdelay $0x1  }
0x9b: {  	s6 =	simm.s32 $_scs_section_size  }
0x9c: {  	s7 =	simm.s32 $_size__tile_overlayer_lowered;
	s8 =	simm.s32 $_tile_overlayer_lowered  }
0x9d: {  	s22 =	simm.s32 $0x1BFF;
	s21 =	sshll.u32 s8, $0x1;
	s5 =	sadd.s32 s6, s19  }
0x9e: {  	s9 =	simm.s32 $0x0;
	s20 =	sshll.u32 s7, $0x1;
	s7 =	sadd.s32 s21, s5  }
0x9f: {  	[timem:s9], [sflag:s22] =	dma.local [hbm:s7], s20  }
0xa0: {  	_ =	swait.ge [sflag:s22], s20  }
0xa1: {  	s6 =	ssub.s32 $0x0, s20;
	[sflag:s22] =	ssyncset.done $0x0  }
0xa2: {  	[sflag:s22] =	ssyncadd.s32 s6;
	_ =	sdelay $0x1  }
0xa3: {  	s23 =	simm.s32 $0x1B8B  }
0xa4: {  	_ =	swait.ge [sflag:s23], $0x1  }
0xa5: {  	[sflag:s23] =	ssyncset.done $0x0  }
0xa6: {  	s25 =	simm.s32 $0x1B8E;
	s24 =	sld [smem:$0x3FFE];
	[sflag:s23] =	ssyncadd.s32 $0xFFFFFFFF  }
0xa7: {  	s26 =	simm.s32 $execute0_lowered;
	[smem:$0x3FD2] =	sst s25  }
0xa8: {  	s7 =	sshll.u32 s26, $0x1;
	_ =	strace $0x80000046;
	[dreg:$0x1] =	wrdreg $0xFFFFFFFF  }
0xa9: {  	s28 =	simm.s32 $_size_execute0_lowered;
	s5 =	sadd.s32 s5, s7;
	[dreg:$0x0] =	wrdreg $0x0  }
0xaa: {  	s7 =	sshll.u32 s28, $0x1;
	[dreg:$0x2] =	wrdreg s5  }
0xab: {  	[dreg:$0x3] =	wrdreg s7  }
0xac: {  	[dreg:$0x4] =	wrdreg $0xC0  }
0xad: {  	_ =	task [dreg:s9], $0x5FFFF  }
0xae: {  	[dreg:$0x1] =	wrdreg $0xFFFFFFFF  }
0xaf: {  	[dreg:$0x0] =	wrdreg $0x60  }
0xb0: {  	[dreg:$0x2] =	wrdreg s24  }
0xb1: {  	[dreg:$0x3] =	wrdreg s2  }
0xb2: {  	[dreg:$0x4] =	wrdreg s18  }
0xb3: {  	[dreg:$0x5] =	wrdreg s4  }
0xb4: {  	[dreg:$0x6] =	wrdreg $0x9  }
0xb5: {  	_ =	task.clear_ibuf [dreg:s9], $0x7FFFF;
	_ =	strace $0x90000046  }
0xb6: {  	s29 =	simm.s32 $0x9;
	_ =	strace $0x80000048  }
0xb7: {  	_ =	swait.ge [sflag:s29], $0x1  }
0xb8: {  	[sflag:s29] =	ssyncadd.s32 $0xFFFFFFFF  }
0xb9: {  	_ =	strace $0x90000048  }
0xba: {  	_ =	sfence  }
0xbb: {  	s30 =	sld [smem:$0x0];
	_ =	sdelay $0x2  }
0xbc: {  	s31 =	sshll.u32 s1, $0xD;
	s1 =	sshrl.u32 s1, $0x2  }
0xbd: {  	s3 =	sand.u32 $0x4000, s31;
	s1 =	sadd.s32 s1, s30  }
0xbe: {  	s0 =	sor.u32 s3, s0;
	s1 =	sshll.u32 s1, $0x11  }
0xbf: {  	s0 =	sor.u32 s1, s0  }
0xc0: {  	s0 =	sadd.s32 $0x8F2B, s0  }
0xc1: {  	[sflag:s0] =	ssyncadd.remote.s32 $0x1  }
0xc2: {  	_ =	sfence.sel $0xFFFF  }
0xc3: {  	[dreg:$0x0] =	wrdreg $0xFFFFFFFF;
	(pc) =	sbr.abs _section_cstart, $3  }
0xc4: {  	[dreg:$0x1] =	wrdreg $0xFFFFFFFF  }
0xc5: {  	_ =	task.clear_ibuf [dreg:s9], $0x2FFFF;
	_ =	strace $0x9FFFFFFF  }
0xc6: {  	(tm) =	ssettm $0x7FFFFFFF  }
0xc7: {  	_ =	shalt  }
tec
execute0_lowered:
.L_overlay_start_1:
0x0: {  	(tag) =	ssettag $0x1  }
0x1: {  	s0 =	rddreg [dreg:$0x0]  }
0x2: {  	s1 =	rddreg [dreg:$0x1]  }
0x3: {  	s3 =	srdreg.scid;
	s2 =	rddreg [dreg:$0x2]  }
0x4: {  	s5 =	stileid.u32;
	s10 =	rddreg [dreg:$0x3];
	s28 =	simm.s32 $0x11180  }
0x5: {  	s29 =	simm.s32 $0x11980;
	s30 =	simm.s32 $0x12180;
	s31 =	simm.s32 $0x18180  }
0x6: {  	s13 =	simm.s32 $0x6;
	s14 =	simm.s32 $0x2;
	s15 =	simm.s32 $0x5  }
0x7: {  	s16 =	simm.s32 $0x3;
	s4 =	sand.u32 $0x1, s3;
	s24 =	sshll.u32 s5, $0x1  }
0x8: {  	s17 =	simm.s32 $0x7;
	s3 =	simm.s32 $0x0;
	s5 =	sor.u32 s4, s24  }
0x9: {  	s18 =	simm.s32 $0x0;
	[smem:$0x7FF] =	sst s3;
	s6 =	smul.u32 $0x24, s5  }
0xa: {  	s4 =	ssub.s32 $0x2, s4;
	s24 =	simm.s32 $0xF980;
	s7 =	smul.u32 $0x12000, s5  }
0xb: {  	_ =	strace $0x80000047;
	s8 =	sshrl.u32 s4, $0x1;
	s9 =	smul.u32 $0x2400, s5  }
0xc: {  	s11 =	ssub.s32 s4, s8;
	s0 =	sadd.s32 s6, s0;
	s25 =	sshrl.u32 s7, $0x3  }
0xd: {  	s5 =	sadd.s32 s1, s9;
	s7 =	sadd.s32 s10, s9;
	s11 =	smax.u32 s11, $0x1  }
0xe: {  	s4 =	sadd.s32 $0xA00, s0;
	s26 =	sadd.s32 $0xC00, s25;
	s12 =	sadd.s32 $0x1800, s25  }
0xf: {  	v2 =	vlaneseq.u32;
	s25 =	simm.s32 $0x10180;
	s0 =	simm.s32 $0x4;
	s6 =	sadd.s32 s1, s26  }
0x10: {  	vm0 =	vmmov $0xffff;
	v1 =	vshrl.u32 v2, $0x3;
	s8 =	sadd.s32 s1, s12;
	s9 =	sadd.s32 s10, s26;
	s10 =	sadd.s32 s10, s12  }
0x11: {  	v0 =	vand.u32 $0x7, v2;
	v2 =	vor.u32 $0x8, v2;
	v1 =	vmul.u32 $0x8, v1;
	s12 =	simm.s32 $0x8;
	s26 =	simm.s32 $0x10980;
	s1 =	simm.s32 $0x1  }
.LBB2_1:
0x12: {  	[tilespmem:s3], [sflag:$0x8] =	stream.linear.gather [hbm4b:s4+s3], $0x120, $0x38;
	[tilespmem:$0x1E180] =	vst v63  }
0x13: {  	_ =	swait.ge [sflag:s12], $0x120  }
0x14: {  	[sflag:s12] =	ssyncset.done $0x0  }
0x15: {  	[sflag:s12] =	ssyncadd.s32 $0xFFFFFEE0  }
0x16: {  	v3 =	vld [tilespmem:$0x0];
	_ =	sdelay $0x4  }
0x17: {  	v4 =	vshll.u32 v3, $0x1  }
0x18: {  	v3 =	vand.u32 $0x7, v3;
	v4 =	vand.u32 $0xFFFFFFF0, v4  }
0x19: {  	v3 =	vor.u32 v3, v4  }
0x1a: {  	v4 =	vperm.xlane v3, v0;
	_ =	sdelay $0x1  }
0x1b: {  	v3 =	vperm.xlane v3, v2;
	v4 =	vadd.s32 v1, v4;
	_ =	sdelay $0x1  }
0x1c: {  	v3 =	vadd.s32 v1, v3;
	_ =	sdelay $0x1  }
0x1d: {  	s19 =	simm.s32 $0x180  }
0x1e: {  	[tilespmem:s19], [sflag:$0x1] =	stream.indirect_vreg.gather [hbm4b:s2+s3], $0x80, v4, vm0, $0xb8;
	[tilespmem:$0x1E180] =	vst v63  }
0x1f: {  	s21 =	simm.s32 $0x980  }
0x20: {  	[tilespmem:s21], [sflag:$0x1] =	stream.indirect_vreg.gather [hbm4b:s2+s3], $0x80, v3, vm0, $0xb8;
	[tilespmem:$0x1E180] =	vst v63  }
0x21: {  	v3 =	vld [tilespmem:$0x10];
	_ =	sdelay $0x4  }
0x22: {  	v4 =	vshll.u32 v3, $0x1  }
0x23: {  	v3 =	vand.u32 $0x7, v3;
	v4 =	vand.u32 $0xFFFFFFF0, v4  }
0x24: {  	v3 =	vor.u32 v3, v4  }
0x25: {  	v4 =	vperm.xlane v3, v0;
	_ =	sdelay $0x1  }
0x26: {  	v3 =	vperm.xlane v3, v2;
	v4 =	vadd.s32 v1, v4;
	_ =	sdelay $0x1  }
0x27: {  	v3 =	vadd.s32 v1, v3;
	_ =	sdelay $0x1  }
0x28: {  	s22 =	simm.s32 $0x1180  }
0x29: {  	[tilespmem:s22], [sflag:$0x1] =	stream.indirect_vreg.gather [hbm4b:s2+s3], $0x80, v4, vm0, $0xb8;
	[tilespmem:$0x1E180] =	vst v63  }
0x2a: {  	s23 =	simm.s32 $0x1980  }
0x2b: {  	[tilespmem:s23], [sflag:$0x1] =	stream.indirect_vreg.gather [hbm4b:s2+s3], $0x80, v3, vm0, $0xb8;
	[tilespmem:$0x1E180] =	vst v63  }
0x2c: {  	v3 =	vld [tilespmem:$0x20];
	_ =	sdelay $0x4  }
0x2d: {  	v4 =	vshll.u32 v3, $0x1  }
0x2e: {  	v3 =	vand.u32 $0x7, v3;
	v4 =	vand.u32 $0xFFFFFFF0, v4  }
0x2f: {  	v3 =	vor.u32 v3, v4  }
0x30: {  	v4 =	vperm.xlane v3, v0;
	_ =	sdelay $0x1  }
0x31: {  	v3 =	vperm.xlane v3, v2;
	v4 =	vadd.s32 v1, v4;
	_ =	sdelay $0x1  }
0x32: {  	v3 =	vadd.s32 v1, v3;
	_ =	sdelay $0x1  }
0x33: {  	s20 =	simm.s32 $0x2180  }
0x34: {  	[tilespmem:s20], [sflag:$0x1] =	stream.indirect_vreg.gather [hbm4b:s2+s3], $0x80, v4, vm0, $0xb8;
	[tilespmem:$0x1E180] =	vst v63  }
0x35: {  	s21 =	simm.s32 $0x2980  }
0x36: {  	[tilespmem:s21], [sflag:$0x1] =	stream.indirect_vreg.gather [hbm4b:s2+s3], $0x80, v3, vm0, $0xb8;
	[tilespmem:$0x1E180] =	vst v63  }
0x37: {  	v3 =	vld [tilespmem:$0x30];
	_ =	sdelay $0x4  }
0x38: {  	v4 =	vshll.u32 v3, $0x1  }
0x39: {  	v3 =	vand.u32 $0x7, v3;
	v4 =	vand.u32 $0xFFFFFFF0, v4  }
0x3a: {  	v3 =	vor.u32 v3, v4  }
0x3b: {  	v4 =	vperm.xlane v3, v0;
	_ =	sdelay $0x1  }
0x3c: {  	v3 =	vperm.xlane v3, v2;
	v4 =	vadd.s32 v1, v4;
	_ =	sdelay $0x1  }
0x3d: {  	v3 =	vadd.s32 v1, v3;
	_ =	sdelay $0x1  }
0x3e: {  	s22 =	simm.s32 $0x3180  }
0x3f: {  	[tilespmem:s22], [sflag:$0x1] =	stream.indirect_vreg.gather [hbm4b:s2+s3], $0x80, v4, vm0, $0xb8;
	[tilespmem:$0x1E180] =	vst v63  }
0x40: {  	s23 =	simm.s32 $0x3980  }
0x41: {  	[tilespmem:s23], [sflag:$0x1] =	stream.indirect_vreg.gather [hbm4b:s2+s3], $0x80, v3, vm0, $0xb8;
	[tilespmem:$0x1E180] =	vst v63  }
0x42: {  	v3 =	vld [tilespmem:$0x40];
	_ =	sdelay $0x4  }
0x43: {  	v4 =	vshll.u32 v3, $0x1  }
0x44: {  	v3 =	vand.u32 $0x7, v3;
	v4 =	vand.u32 $0xFFFFFFF0, v4  }
0x45: {  	v3 =	vor.u32 v3, v4  }
0x46: {  	v4 =	vperm.xlane v3, v0;
	_ =	sdelay $0x1  }
0x47: {  	v3 =	vperm.xlane v3, v2;
	v4 =	vadd.s32 v1, v4;
	_ =	sdelay $0x1  }
0x48: {  	v3 =	vadd.s32 v1, v3;
	_ =	sdelay $0x1  }
0x49: {  	s20 =	simm.s32 $0x4180  }
0x4a: {  	[tilespmem:s20], [sflag:$0x1] =	stream.indirect_vreg.gather [hbm4b:s2+s3], $0x80, v4, vm0, $0xb8;
	[tilespmem:$0x1E180] =	vst v63  }
0x4b: {  	s21 =	simm.s32 $0x4980  }
0x4c: {  	[tilespmem:s21], [sflag:$0x1] =	stream.indirect_vreg.gather [hbm4b:s2+s3], $0x80, v3, vm0, $0xb8;
	[tilespmem:$0x1E180] =	vst v63  }
0x4d: {  	v3 =	vld [tilespmem:$0x50];
	_ =	sdelay $0x4  }
0x4e: {  	v4 =	vshll.u32 v3, $0x1  }
0x4f: {  	v3 =	vand.u32 $0x7, v3;
	v4 =	vand.u32 $0xFFFFFFF0, v4  }
0x50: {  	v3 =	vor.u32 v3, v4  }
0x51: {  	v4 =	vperm.xlane v3, v0;
	_ =	sdelay $0x1  }
0x52: {  	v3 =	vperm.xlane v3, v2;
	v4 =	vadd.s32 v1, v4;
	_ =	sdelay $0x1  }
0x53: {  	v3 =	vadd.s32 v1, v3;
	_ =	sdelay $0x1  }
0x54: {  	s22 =	simm.s32 $0x5180  }
0x55: {  	[tilespmem:s22], [sflag:$0x1] =	stream.indirect_vreg.gather [hbm4b:s2+s3], $0x80, v4, vm0, $0xb8;
	[tilespmem:$0x1E180] =	vst v63  }
0x56: {  	s23 =	simm.s32 $0x5980  }
0x57: {  	[tilespmem:s23], [sflag:$0x1] =	stream.indirect_vreg.gather [hbm4b:s2+s3], $0x80, v3, vm0, $0xb8;
	[tilespmem:$0x1E180] =	vst v63  }
0x58: {  	v3 =	vld [tilespmem:$0x60];
	_ =	sdelay $0x4  }
0x59: {  	v4 =	vshll.u32 v3, $0x1  }
0x5a: {  	v3 =	vand.u32 $0x7, v3;
	v4 =	vand.u32 $0xFFFFFFF0, v4  }
0x5b: {  	v3 =	vor.u32 v3, v4  }
0x5c: {  	v4 =	vperm.xlane v3, v0;
	_ =	sdelay $0x1  }
0x5d: {  	v3 =	vperm.xlane v3, v2;
	v4 =	vadd.s32 v1, v4;
	_ =	sdelay $0x1  }
0x5e: {  	v3 =	vadd.s32 v1, v3;
	_ =	sdelay $0x1  }
0x5f: {  	s20 =	simm.s32 $0x6180  }
0x60: {  	[tilespmem:s20], [sflag:$0x2] =	stream.indirect_vreg.gather [hbm4b:s2+s3], $0x80, v4, vm0, $0xb8;
	[tilespmem:$0x1E180] =	vst v63  }
0x61: {  	s21 =	simm.s32 $0x6980  }
0x62: {  	[tilespmem:s21], [sflag:$0x2] =	stream.indirect_vreg.gather [hbm4b:s2+s3], $0x80, v3, vm0, $0xb8;
	[tilespmem:$0x1E180] =	vst v63  }
0x63: {  	v3 =	vld [tilespmem:$0x70];
	_ =	sdelay $0x4  }
0x64: {  	v4 =	vshll.u32 v3, $0x1  }
0x65: {  	v3 =	vand.u32 $0x7, v3;
	v4 =	vand.u32 $0xFFFFFFF0, v4  }
0x66: {  	v3 =	vor.u32 v3, v4  }
0x67: {  	v4 =	vperm.xlane v3, v0;
	_ =	sdelay $0x1  }
0x68: {  	v3 =	vperm.xlane v3, v2;
	v4 =	vadd.s32 v1, v4;
	_ =	sdelay $0x1  }
0x69: {  	v3 =	vadd.s32 v1, v3;
	_ =	sdelay $0x1  }
0x6a: {  	s22 =	simm.s32 $0x7180  }
0x6b: {  	[tilespmem:s22], [sflag:$0x2] =	stream.indirect_vreg.gather [hbm4b:s2+s3], $0x80, v4, vm0, $0xb8;
	[tilespmem:$0x1E180] =	vst v63  }
0x6c: {  	s23 =	simm.s32 $0x7980  }
0x6d: {  	[tilespmem:s23], [sflag:$0x2] =	stream.indirect_vreg.gather [hbm4b:s2+s3], $0x80, v3, vm0, $0xb8;
	[tilespmem:$0x1E180] =	vst v63  }
0x6e: {  	v3 =	vld [tilespmem:$0x80];
	_ =	sdelay $0x4  }
0x6f: {  	v4 =	vshll.u32 v3, $0x1  }
0x70: {  	v3 =	vand.u32 $0x7, v3;
	v4 =	vand.u32 $0xFFFFFFF0, v4  }
0x71: {  	v3 =	vor.u32 v3, v4  }
0x72: {  	v4 =	vperm.xlane v3, v0;
	_ =	sdelay $0x1  }
0x73: {  	v3 =	vperm.xlane v3, v2;
	v4 =	vadd.s32 v1, v4;
	_ =	sdelay $0x1  }
0x74: {  	v3 =	vadd.s32 v1, v3;
	_ =	sdelay $0x1  }
0x75: {  	s20 =	simm.s32 $0x8180  }
0x76: {  	[tilespmem:s20], [sflag:$0x2] =	stream.indirect_vreg.gather [hbm4b:s2+s3], $0x80, v4, vm0, $0xb8;
	[tilespmem:$0x1E180] =	vst v63  }
0x77: {  	s21 =	simm.s32 $0x8980  }
0x78: {  	[tilespmem:s21], [sflag:$0x2] =	stream.indirect_vreg.gather [hbm4b:s2+s3], $0x80, v3, vm0, $0xb8;
	[tilespmem:$0x1E180] =	vst v63  }
0x79: {  	v3 =	vld [tilespmem:$0x90];
	_ =	sdelay $0x4  }
0x7a: {  	v4 =	vshll.u32 v3, $0x1  }
0x7b: {  	v3 =	vand.u32 $0x7, v3;
	v4 =	vand.u32 $0xFFFFFFF0, v4  }
0x7c: {  	v3 =	vor.u32 v3, v4  }
0x7d: {  	v4 =	vperm.xlane v3, v0;
	_ =	sdelay $0x1  }
0x7e: {  	v3 =	vperm.xlane v3, v2;
	v4 =	vadd.s32 v1, v4;
	_ =	sdelay $0x1  }
0x7f: {  	v3 =	vadd.s32 v1, v3;
	_ =	sdelay $0x1  }
0x80: {  	s22 =	simm.s32 $0x9180  }
0x81: {  	[tilespmem:s22], [sflag:$0x2] =	stream.indirect_vreg.gather [hbm4b:s2+s3], $0x80, v4, vm0, $0xb8;
	[tilespmem:$0x1E180] =	vst v63  }
0x82: {  	s23 =	simm.s32 $0x9980  }
0x83: {  	[tilespmem:s23], [sflag:$0x2] =	stream.indirect_vreg.gather [hbm4b:s2+s3], $0x80, v3, vm0, $0xb8;
	[tilespmem:$0x1E180] =	vst v63  }
0x84: {  	v3 =	vld [tilespmem:$0xA0];
	_ =	sdelay $0x4  }
0x85: {  	v4 =	vshll.u32 v3, $0x1  }
0x86: {  	v3 =	vand.u32 $0x7, v3;
	v4 =	vand.u32 $0xFFFFFFF0, v4  }
0x87: {  	v3 =	vor.u32 v3, v4  }
0x88: {  	v4 =	vperm.xlane v3, v0;
	_ =	sdelay $0x1  }
0x89: {  	v3 =	vperm.xlane v3, v2;
	v4 =	vadd.s32 v1, v4;
	_ =	sdelay $0x1  }
0x8a: {  	v3 =	vadd.s32 v1, v3;
	_ =	sdelay $0x1  }
0x8b: {  	s20 =	simm.s32 $0xA180  }
0x8c: {  	[tilespmem:s20], [sflag:$0x2] =	stream.indirect_vreg.gather [hbm4b:s2+s3], $0x80, v4, vm0, $0xb8;
	[tilespmem:$0x1E180] =	vst v63  }
0x8d: {  	s21 =	simm.s32 $0xA980  }
0x8e: {  	[tilespmem:s21], [sflag:$0x2] =	stream.indirect_vreg.gather [hbm4b:s2+s3], $0x80, v3, vm0, $0xb8;
	[tilespmem:$0x1E180] =	vst v63  }
0x8f: {  	v3 =	vld [tilespmem:$0xB0];
	_ =	sdelay $0x4  }
0x90: {  	v4 =	vshll.u32 v3, $0x1  }
0x91: {  	v3 =	vand.u32 $0x7, v3;
	v4 =	vand.u32 $0xFFFFFFF0, v4  }
0x92: {  	v3 =	vor.u32 v3, v4  }
0x93: {  	v4 =	vperm.xlane v3, v0;
	_ =	sdelay $0x1  }
0x94: {  	v3 =	vperm.xlane v3, v2;
	v4 =	vadd.s32 v1, v4;
	_ =	sdelay $0x1  }
0x95: {  	v3 =	vadd.s32 v1, v3;
	_ =	sdelay $0x1  }
0x96: {  	s22 =	simm.s32 $0xB180  }
0x97: {  	[tilespmem:s22], [sflag:$0x2] =	stream.indirect_vreg.gather [hbm4b:s2+s3], $0x80, v4, vm0, $0xb8;
	[tilespmem:$0x1E180] =	vst v63  }
0x98: {  	s23 =	simm.s32 $0xB980  }
0x99: {  	[tilespmem:s23], [sflag:$0x2] =	stream.indirect_vreg.gather [hbm4b:s2+s3], $0x80, v3, vm0, $0xb8;
	[tilespmem:$0x1E180] =	vst v63  }
0x9a: {  	v3 =	vld [tilespmem:$0xC0];
	_ =	sdelay $0x4  }
0x9b: {  	v4 =	vshll.u32 v3, $0x1  }
0x9c: {  	v3 =	vand.u32 $0x7, v3;
	v4 =	vand.u32 $0xFFFFFFF0, v4  }
0x9d: {  	v3 =	vor.u32 v3, v4  }
0x9e: {  	v4 =	vperm.xlane v3, v0;
	_ =	sdelay $0x1  }
0x9f: {  	v3 =	vperm.xlane v3, v2;
	v4 =	vadd.s32 v1, v4;
	_ =	sdelay $0x1  }
0xa0: {  	v3 =	vadd.s32 v1, v3;
	_ =	sdelay $0x1  }
0xa1: {  	s20 =	simm.s32 $0xC180  }
0xa2: {  	[tilespmem:s20], [sflag:$0x3] =	stream.indirect_vreg.gather [hbm4b:s2+s3], $0x80, v4, vm0, $0xb8;
	[tilespmem:$0x1E180] =	vst v63  }
0xa3: {  	s21 =	simm.s32 $0xC980  }
0xa4: {  	[tilespmem:s21], [sflag:$0x3] =	stream.indirect_vreg.gather [hbm4b:s2+s3], $0x80, v3, vm0, $0xb8;
	[tilespmem:$0x1E180] =	vst v63  }
0xa5: {  	v3 =	vld [tilespmem:$0xD0];
	_ =	sdelay $0x4  }
0xa6: {  	v4 =	vshll.u32 v3, $0x1  }
0xa7: {  	v3 =	vand.u32 $0x7, v3;
	v4 =	vand.u32 $0xFFFFFFF0, v4  }
0xa8: {  	v3 =	vor.u32 v3, v4  }
0xa9: {  	v4 =	vperm.xlane v3, v0;
	_ =	sdelay $0x1  }
0xaa: {  	v3 =	vperm.xlane v3, v2;
	v4 =	vadd.s32 v1, v4;
	_ =	sdelay $0x1  }
0xab: {  	v3 =	vadd.s32 v1, v3;
	_ =	sdelay $0x1  }
0xac: {  	s22 =	simm.s32 $0xD180  }
0xad: {  	[tilespmem:s22], [sflag:$0x3] =	stream.indirect_vreg.gather [hbm4b:s2+s3], $0x80, v4, vm0, $0xb8;
	[tilespmem:$0x1E180] =	vst v63  }
0xae: {  	s23 =	simm.s32 $0xD980  }
0xaf: {  	[tilespmem:s23], [sflag:$0x3] =	stream.indirect_vreg.gather [hbm4b:s2+s3], $0x80, v3, vm0, $0xb8;
	[tilespmem:$0x1E180] =	vst v63  }
0xb0: {  	v3 =	vld [tilespmem:$0xE0];
	_ =	sdelay $0x4  }
0xb1: {  	v4 =	vshll.u32 v3, $0x1  }
0xb2: {  	v3 =	vand.u32 $0x7, v3;
	v4 =	vand.u32 $0xFFFFFFF0, v4  }
0xb3: {  	v3 =	vor.u32 v3, v4  }
0xb4: {  	v4 =	vperm.xlane v3, v0;
	_ =	sdelay $0x1  }
0xb5: {  	v3 =	vperm.xlane v3, v2;
	v4 =	vadd.s32 v1, v4;
	_ =	sdelay $0x1  }
0xb6: {  	v3 =	vadd.s32 v1, v3;
	_ =	sdelay $0x1  }
0xb7: {  	s20 =	simm.s32 $0xE180  }
0xb8: {  	[tilespmem:s20], [sflag:$0x3] =	stream.indirect_vreg.gather [hbm4b:s2+s3], $0x80, v4, vm0, $0xb8;
	[tilespmem:$0x1E180] =	vst v63  }
0xb9: {  	s21 =	simm.s32 $0xE980  }
0xba: {  	[tilespmem:s21], [sflag:$0x3] =	stream.indirect_vreg.gather [hbm4b:s2+s3], $0x80, v3, vm0, $0xb8;
	[tilespmem:$0x1E180] =	vst v63  }
0xbb: {  	v3 =	vld [tilespmem:$0xF0];
	_ =	sdelay $0x4  }
0xbc: {  	v4 =	vshll.u32 v3, $0x1  }
0xbd: {  	v3 =	vand.u32 $0x7, v3;
	v4 =	vand.u32 $0xFFFFFFF0, v4  }
0xbe: {  	v3 =	vor.u32 v3, v4  }
0xbf: {  	v4 =	vperm.xlane v3, v0;
	_ =	sdelay $0x1  }
0xc0: {  	v3 =	vperm.xlane v3, v2;
	v4 =	vadd.s32 v1, v4;
	_ =	sdelay $0x1  }
0xc1: {  	v3 =	vadd.s32 v1, v3;
	_ =	sdelay $0x1  }
0xc2: {  	s22 =	simm.s32 $0xF180  }
0xc3: {  	[tilespmem:s22], [sflag:$0x3] =	stream.indirect_vreg.gather [hbm4b:s2+s3], $0x80, v4, vm0, $0xb8;
	[tilespmem:$0x1E180] =	vst v63  }
0xc4: {  	_ = 	snop  }
0xc5: {  	[tilespmem:s24], [sflag:$0x3] =	stream.indirect_vreg.gather [hbm4b:s2+s3], $0x80, v3, vm0, $0xb8;
	[tilespmem:$0x1E180] =	vst v63  }
0xc6: {  	v3 =	vld [tilespmem:$0x100];
	_ =	sdelay $0x4  }
0xc7: {  	v4 =	vshll.u32 v3, $0x1  }
0xc8: {  	v3 =	vand.u32 $0x7, v3;
	v4 =	vand.u32 $0xFFFFFFF0, v4  }
0xc9: {  	v3 =	vor.u32 v3, v4  }
0xca: {  	v4 =	vperm.xlane v3, v0;
	_ =	sdelay $0x1  }
0xcb: {  	v3 =	vperm.xlane v3, v2;
	v4 =	vadd.s32 v1, v4;
	_ =	sdelay $0x1  }
0xcc: {  	v3 =	vadd.s32 v1, v3;
	_ =	sdelay $0x2  }
0xcd: {  	[tilespmem:s25], [sflag:$0x3] =	stream.indirect_vreg.gather [hbm4b:s2+s3], $0x80, v4, vm0, $0xb8;
	[tilespmem:$0x1E180] =	vst v63  }
0xce: {  	_ = 	snop  }
0xcf: {  	[tilespmem:s26], [sflag:$0x3] =	stream.indirect_vreg.gather [hbm4b:s2+s3], $0x80, v3, vm0, $0xb8;
	[tilespmem:$0x1E180] =	vst v63  }
0xd0: {  	v3 =	vld [tilespmem:$0x110];
	_ =	sdelay $0x4  }
0xd1: {  	v4 =	vshll.u32 v3, $0x1  }
0xd2: {  	v3 =	vand.u32 $0x7, v3;
	v4 =	vand.u32 $0xFFFFFFF0, v4  }
0xd3: {  	v3 =	vor.u32 v3, v4  }
0xd4: {  	v4 =	vperm.xlane v3, v0;
	_ =	sdelay $0x1  }
0xd5: {  	v3 =	vperm.xlane v3, v2;
	v4 =	vadd.s32 v1, v4;
	_ =	sdelay $0x1  }
0xd6: {  	v3 =	vadd.s32 v1, v3;
	_ =	sdelay $0x2  }
0xd7: {  	[tilespmem:s28], [sflag:$0x3] =	stream.indirect_vreg.gather [hbm4b:s2+s3], $0x80, v4, vm0, $0xb8;
	[tilespmem:$0x1E180] =	vst v63  }
0xd8: {  	_ = 	snop  }
0xd9: {  	[tilespmem:s29], [sflag:$0x3] =	stream.indirect_vreg.gather [hbm4b:s2+s3], $0x80, v3, vm0, $0xb8;
	[tilespmem:$0x1E180] =	vst v63  }
0xda: {  	_ = 	snop  }
0xdb: {  	[tilespmem:s30], [sflag:$0x4] =	stream.linear.gather [hbm4b:s5+s3], $0x6000, $0x38;
	[tilespmem:$0x1E180] =	vst v63  }
0xdc: {  	_ = 	snop  }
0xdd: {  	[tilespmem:s31], [sflag:$0x5] =	stream.linear.gather [hbm4b:s6+s3], $0x6000, $0x38;
	[tilespmem:$0x1E180] =	vst v63  }
0xde: {  	_ =	swait.ge [sflag:s1], $0x6000  }
0xdf: {  	[sflag:s1] =	ssyncset.done $0x0  }
0xe0: {  	[sflag:s1] =	ssyncadd.s32 $0xFFFFA000  }
0xe1: {  	_ =	swait.ge [sflag:s0], $0x6000  }
0xe2: {  	s23 =	sand.u32 $0x7800, s3;
	s20 =	sand.u32 $0x380, s3;
	[sflag:s0] =	ssyncset.done $0x0  }
0xe3: {  	s19 =	sor.u32 s20, s23;
	[sflag:s0] =	ssyncadd.s32 $0xFFFFA000  }
0xe4: {  	v10 =	vld [tilespmem:s19+$0x180]  }
0xe5: {  	v11 =	vld [tilespmem:s19+$0x190]  }
0xe6: {  	v12 =	vld [tilespmem:s19+$0x1A0]  }
0xe7: {  	v13 =	vld [tilespmem:s19+$0x1B0]  }
0xe8: {  	v14 =	vld [tilespmem:s19+$0x1C0]  }
0xe9: {  	v15 =	vld [tilespmem:s19+$0x1D0]  }
0xea: {  	v16 =	vld [tilespmem:s19+$0x1E0]  }
0xeb: {  	v17 =	vld [tilespmem:s19+$0x1F0]  }
0xec: {  	v19 =	vld [tilespmem:s19+$0x580]  }
0xed: {  	v9 =	vld [tilespmem:s19+$0x590]  }
0xee: {  	v8 =	vld [tilespmem:s19+$0x5A0]  }
0xef: {  	v7 =	vld [tilespmem:s19+$0x5B0]  }
0xf0: {  	v6 =	vld [tilespmem:s19+$0x5C0]  }
0xf1: {  	v5 =	vld [tilespmem:s19+$0x5D0]  }
0xf2: {  	v4 =	vld [tilespmem:s19+$0x5E0]  }
0xf3: {  	v3 =	vld [tilespmem:s19+$0x5F0]  }
0xf4: {  	v18 =	vld [tilespmem:s19+$0x12180]  }
0xf5: {  	v20 =	vld [tilespmem:s19+$0x12190]  }
0xf6: {  	v21 =	vld [tilespmem:s19+$0x121A0]  }
0xf7: {  	v22 =	vld [tilespmem:s19+$0x121B0];
	v10 =	vadd.f32 $1.000000000e+00, v10  }
0xf8: {  	v23 =	vld [tilespmem:s19+$0x121C0];
	v11 =	vadd.f32 $1.000000000e+00, v11  }
0xf9: {  	v12 =	vadd.f32 $1.000000000e+00, v12;
	v10 =	vmul.f32 v10, v18;
	v18 =	vld [tilespmem:s19+$0x121D0]  }
0xfa: {  	v24 =	vld [tilespmem:s19+$0x121E0];
	v11 =	vmul.f32 v11, v20;
	v20 =	vadd.f32 $1.000000000e+00, v13  }
0xfb: {  	v13 =	vld [tilespmem:s19+$0x121F0];
	[tilespmem:s19+$0x12180] =	vst v10;
	v10 =	vmul.f32 v12, v21;
	v12 =	vadd.f32 $1.000000000e+00, v14  }
0xfc: {  	v15 =	vadd.f32 $1.000000000e+00, v15;
	[tilespmem:s19+$0x12190] =	vst v11;
	v11 =	vmul.f32 v20, v22;
	v14 =	vld [tilespmem:s19+$0x12580]  }
0xfd: {  	v16 =	vadd.f32 $1.000000000e+00, v16;
	[tilespmem:s19+$0x121A0] =	vst v10;
	v20 =	vmul.f32 v12, v23;
	v12 =	vld [tilespmem:s19+$0x12590]  }
0xfe: {  	[tilespmem:s19+$0x121B0] =	vst v11;
	v10 =	vld [tilespmem:s19+$0x125A0];
	v15 =	vmul.f32 v15, v18;
	v18 =	vadd.f32 $1.000000000e+00, v17  }
0xff: {  	s20 =	simm.s32 $0x100;
	s21 =	simm.s32 $0x0;
	v16 =	vmul.f32 v16, v24;
	v11 =	vld [tilespmem:s19+$0x125B0];
	v17 =	vadd.f32 $1.000000000e+00, v19;
	[tilespmem:s19+$0x121C0] =	vst v20  }
.LBB2_2:
0x100: {  	p0 =	sne.s32 s20, $0x5F00;
	[tilespmem:s19+$0x121D0] =	vst v15;
	v13 =	vmul.f32 v18, v13;
	v9 =	vadd.f32 $1.000000000e+00, v9;
	v15 =	vld [tilespmem:s19+$0x125C0]  }
0x101: {  	v8 =	vadd.f32 $1.000000000e+00, v8;
	s21 =	sadd.s32 $0x80, s21;
	[tilespmem:s19+$0x121E0] =	vst v16;
	v14 =	vmul.f32 v17, v14;
	v16 =	vld [tilespmem:s19+$0x125D0]  }
0x102: {  	s22 =	sand.u32 $0x7800, s20;
	v7 =	vadd.f32 $1.000000000e+00, v7;
	s23 =	sand.u32 $0x380, s21;
	[tilespmem:s19+$0x121F0] =	vst v13;
	v9 =	vmul.f32 v9, v12;
	v12 =	vld [tilespmem:s19+$0x125E0]  }
0x103: {  	v6 =	vadd.f32 $1.000000000e+00, v6;
	s22 =	sor.u32 s23, s22;
	[tilespmem:s19+$0x12580] =	vst v14;
	v8 =	vmul.f32 v8, v10;
	v10 =	vld [tilespmem:s19+$0x125F0]  }
0x104: {  	v5 =	vadd.f32 $1.000000000e+00, v5;
	v13 =	vld [tilespmem:s22+$0x180];
	[tilespmem:s19+$0x12590] =	vst v9;
	v7 =	vmul.f32 v7, v11  }
0x105: {  	v4 =	vadd.f32 $1.000000000e+00, v4;
	v11 =	vld [tilespmem:s22+$0x190];
	[tilespmem:s19+$0x125A0] =	vst v8;
	v6 =	vmul.f32 v6, v15  }
0x106: {  	v3 =	vadd.f32 $1.000000000e+00, v3;
	v14 =	vld [tilespmem:s22+$0x1A0];
	[tilespmem:s19+$0x125B0] =	vst v7;
	v5 =	vmul.f32 v5, v16  }
0x107: {  	v15 =	vld [tilespmem:s22+$0x1B0];
	[tilespmem:s19+$0x125C0] =	vst v6;
	v4 =	vmul.f32 v4, v12  }
0x108: {  	v12 =	vld [tilespmem:s22+$0x1C0];
	[tilespmem:s19+$0x125D0] =	vst v5;
	v3 =	vmul.f32 v3, v10  }
0x109: {  	v10 =	vld [tilespmem:s22+$0x1D0];
	[tilespmem:s19+$0x125E0] =	vst v4  }
0x10a: {  	v16 =	vld [tilespmem:s22+$0x1E0];
	[tilespmem:s19+$0x125F0] =	vst v3;
	s19 =	smov.u32 s22  }
0x10b: {  	v17 =	vld [tilespmem:s19+$0x1F0]  }
0x10c: {  	v19 =	vld [tilespmem:s19+$0x580]  }
0x10d: {  	v9 =	vld [tilespmem:s19+$0x590]  }
0x10e: {  	v8 =	vld [tilespmem:s19+$0x5A0]  }
0x10f: {  	v7 =	vld [tilespmem:s19+$0x5B0]  }
0x110: {  	v6 =	vld [tilespmem:s19+$0x5C0]  }
0x111: {  	v5 =	vld [tilespmem:s19+$0x5D0]  }
0x112: {  	v4 =	vld [tilespmem:s19+$0x5E0]  }
0x113: {  	v3 =	vld [tilespmem:s19+$0x5F0]  }
0x114: {  	v18 =	vld [tilespmem:s19+$0x12180]  }
0x115: {  	v20 =	vld [tilespmem:s19+$0x12190]  }
0x116: {  	v21 =	vld [tilespmem:s19+$0x121A0]  }
0x117: {  	v13 =	vadd.f32 $1.000000000e+00, v13;
	v22 =	vld [tilespmem:s19+$0x121B0]  }
0x118: {  	v11 =	vadd.f32 $1.000000000e+00, v11;
	v23 =	vld [tilespmem:s19+$0x121C0]  }
0x119: {  	v14 =	vadd.f32 $1.000000000e+00, v14;
	v13 =	vmul.f32 v13, v18;
	v18 =	vld [tilespmem:s19+$0x121D0]  }
0x11a: {  	v15 =	vadd.f32 $1.000000000e+00, v15;
	v11 =	vmul.f32 v11, v20;
	v20 =	vld [tilespmem:s19+$0x121E0]  }
.Ltmp0:
0x11b: {  	v12 =	vadd.f32 $1.000000000e+00, v12;
	[tilespmem:s19+$0x12180] =	vst v13;
	v21 =	vmul.f32 v14, v21;
	v13 =	vld [tilespmem:s19+$0x121F0];
	(pc) =	sbr.rel @p0 .LBB2_2-.Ltmp0, $4  }
0x11c: {  	v10 =	vadd.f32 $1.000000000e+00, v10;
	[tilespmem:s19+$0x12190] =	vst v11;
	v11 =	vmul.f32 v15, v22;
	v14 =	vld [tilespmem:s19+$0x12580]  }
0x11d: {  	v16 =	vadd.f32 $1.000000000e+00, v16;
	[tilespmem:s19+$0x121A0] =	vst v21;
	v21 =	vmul.f32 v12, v23;
	v12 =	vld [tilespmem:s19+$0x12590]  }
0x11e: {  	[tilespmem:s19+$0x121B0] =	vst v11;
	v15 =	vmul.f32 v10, v18;
	v18 =	vadd.f32 $1.000000000e+00, v17;
	v10 =	vld [tilespmem:s19+$0x125A0]  }
0x11f: {  	s20 =	sadd.s32 $0x100, s20;
	v17 =	vadd.f32 $1.000000000e+00, v19;
	[tilespmem:s19+$0x121C0] =	vst v21;
	v16 =	vmul.f32 v16, v20;
	v11 =	vld [tilespmem:s19+$0x125B0]  }
0x120: {  	[tilespmem:s19+$0x121D0] =	vst v15;
	v13 =	vmul.f32 v18, v13;
	v9 =	vadd.f32 $1.000000000e+00, v9;
	v60 =	vld [tilespmem:s19+$0x125C0]  }
0x121: {  	v8 =	vadd.f32 $1.000000000e+00, v8;
	v61 =	vld [tilespmem:s19+$0x125D0];
	[tilespmem:s19+$0x121E0] =	vst v16;
	v14 =	vmul.f32 v17, v14  }
0x122: {  	v7 =	vadd.f32 $1.000000000e+00, v7;
	v62 =	vld [tilespmem:s19+$0x125E0];
	[tilespmem:s19+$0x121F0] =	vst v13;
	v9 =	vmul.f32 v9, v12  }
0x123: {  	v6 =	vadd.f32 $1.000000000e+00, v6;
	v63 =	vld [tilespmem:s19+$0x125F0];
	[tilespmem:s19+$0x12580] =	vst v14;
	v8 =	vmul.f32 v8, v10  }
0x124: {  	v5 =	vadd.f32 $1.000000000e+00, v5;
	[tilespmem:s19+$0x12590] =	vst v9;
	v7 =	vmul.f32 v7, v11  }
0x125: {  	v4 =	vadd.f32 $1.000000000e+00, v4;
	[tilespmem:s19+$0x125A0] =	vst v8;
	v6 =	vmul.f32 v6, v60  }
0x126: {  	v3 =	vadd.f32 $1.000000000e+00, v3;
	v5 =	vmul.f32 v5, v61;
	[tilespmem:s19+$0x125B0] =	vst v7  }
0x127: {  	v4 =	vmul.f32 v4, v62;
	[tilespmem:s19+$0x125C0] =	vst v6  }
0x128: {  	v3 =	vmul.f32 v3, v63;
	[tilespmem:s19+$0x125D0] =	vst v5  }
0x129: {  	[tilespmem:s19+$0x125E0] =	vst v4  }
0x12a: {  	s23 =	simm.s32 $0x0;
	[tilespmem:s19+$0x125F0] =	vst v3  }
0x12b: {  	[hbm4b:s7+s23] =	stream.linear.scatter [tilespmem:s30], [sflag:$0x6], $0x6000, $0x38;
	[tilespmem:$0x1E180] =	vst v63  }
0x12c: {  	_ =	swait.ge [sflag:s13], $0x6000  }
0x12d: {  	[sflag:s13] =	ssyncset.done $0x0  }
0x12e: {  	[sflag:s13] =	ssyncadd.s32 $0xFFFFA000  }
0x12f: {  	[tilespmem:s30], [sflag:$0x4] =	stream.linear.gather [hbm4b:s8+s23], $0x6000, $0x38;
	[tilespmem:$0x1E180] =	vst v63  }
0x130: {  	_ =	swait.ge [sflag:s14], $0x6000  }
0x131: {  	[sflag:s14] =	ssyncset.done $0x0  }
0x132: {  	[sflag:s14] =	ssyncadd.s32 $0xFFFFA000  }
0x133: {  	_ =	swait.ge [sflag:s15], $0x6000  }
0x134: {  	s20 =	sand.u32 $0x7800, s23;
	s19 =	sand.u32 $0x380, s23;
	[sflag:s15] =	ssyncset.done $0x0  }
0x135: {  	s20 =	sor.u32 s19, s20;
	[sflag:s15] =	ssyncadd.s32 $0xFFFFA000  }
0x136: {  	v3 =	vld [tilespmem:s20+$0x6180];
	_ =	sdelay $0x1  }
0x137: {  	v4 =	vld [tilespmem:s20+$0x18180];
	_ =	sdelay $0x2  }
0x138: {  	v3 =	vadd.f32 $1.000000000e+00, v3;
	_ =	sdelay $0x1  }
0x139: {  	v3 =	vmul.f32 v3, v4  }
0x13a: {  	v4 =	vld [tilespmem:s20+$0x6190]  }
0x13b: {  	s19 =	sadd.s32 $0x18180, s20;
	[tilespmem:s20+$0x18180] =	vst v3  }
0x13c: {  	v3 =	vld [tilespmem:s19+$0x10];
	_ =	sdelay $0x2  }
0x13d: {  	v4 =	vadd.f32 $1.000000000e+00, v4;
	_ =	sdelay $0x1  }
0x13e: {  	v3 =	vmul.f32 v4, v3;
	_ =	sdelay $0x1  }
0x13f: {  	[tilespmem:s19+$0x10] =	vst v3  }
0x140: {  	v3 =	vld [tilespmem:s20+$0x61A0];
	_ =	sdelay $0x1  }
0x141: {  	v4 =	vld [tilespmem:s19+$0x20];
	_ =	sdelay $0x2  }
0x142: {  	v3 =	vadd.f32 $1.000000000e+00, v3;
	_ =	sdelay $0x1  }
0x143: {  	v3 =	vmul.f32 v3, v4;
	_ =	sdelay $0x1  }
0x144: {  	[tilespmem:s19+$0x20] =	vst v3  }
0x145: {  	v3 =	vld [tilespmem:s20+$0x61B0];
	_ =	sdelay $0x1  }
0x146: {  	v4 =	vld [tilespmem:s19+$0x30];
	_ =	sdelay $0x2  }
0x147: {  	v3 =	vadd.f32 $1.000000000e+00, v3;
	_ =	sdelay $0x1  }
0x148: {  	v3 =	vmul.f32 v3, v4;
	_ =	sdelay $0x1  }
0x149: {  	[tilespmem:s19+$0x30] =	vst v3  }
0x14a: {  	v3 =	vld [tilespmem:s20+$0x61C0];
	_ =	sdelay $0x1  }
0x14b: {  	v4 =	vld [tilespmem:s19+$0x40];
	_ =	sdelay $0x2  }
0x14c: {  	v3 =	vadd.f32 $1.000000000e+00, v3;
	_ =	sdelay $0x1  }
0x14d: {  	v3 =	vmul.f32 v3, v4;
	_ =	sdelay $0x1  }
0x14e: {  	[tilespmem:s19+$0x40] =	vst v3  }
0x14f: {  	v3 =	vld [tilespmem:s20+$0x61D0];
	_ =	sdelay $0x1  }
0x150: {  	v4 =	vld [tilespmem:s19+$0x50];
	_ =	sdelay $0x2  }
0x151: {  	v3 =	vadd.f32 $1.000000000e+00, v3;
	_ =	sdelay $0x1  }
0x152: {  	v3 =	vmul.f32 v3, v4;
	_ =	sdelay $0x1  }
0x153: {  	[tilespmem:s19+$0x50] =	vst v3  }
0x154: {  	v3 =	vld [tilespmem:s20+$0x61E0];
	_ =	sdelay $0x1  }
0x155: {  	v4 =	vld [tilespmem:s19+$0x60];
	_ =	sdelay $0x2  }
0x156: {  	v3 =	vadd.f32 $1.000000000e+00, v3;
	_ =	sdelay $0x1  }
0x157: {  	v3 =	vmul.f32 v3, v4;
	_ =	sdelay $0x1  }
0x158: {  	[tilespmem:s19+$0x60] =	vst v3  }
0x159: {  	v3 =	vld [tilespmem:s20+$0x61F0];
	_ =	sdelay $0x1  }
0x15a: {  	v4 =	vld [tilespmem:s19+$0x70];
	_ =	sdelay $0x2  }
0x15b: {  	v3 =	vadd.f32 $1.000000000e+00, v3;
	_ =	sdelay $0x1  }
0x15c: {  	v3 =	vmul.f32 v3, v4;
	_ =	sdelay $0x1  }
0x15d: {  	[tilespmem:s19+$0x70] =	vst v3  }
0x15e: {  	v3 =	vld [tilespmem:s20+$0x6580];
	_ =	sdelay $0x1  }
0x15f: {  	v4 =	vld [tilespmem:s19+$0x400];
	_ =	sdelay $0x2  }
0x160: {  	v3 =	vadd.f32 $1.000000000e+00, v3;
	_ =	sdelay $0x1  }
0x161: {  	v3 =	vmul.f32 v3, v4;
	_ =	sdelay $0x1  }
0x162: {  	[tilespmem:s19+$0x400] =	vst v3  }
0x163: {  	v3 =	vld [tilespmem:s20+$0x6590];
	_ =	sdelay $0x1  }
0x164: {  	v4 =	vld [tilespmem:s19+$0x410];
	_ =	sdelay $0x2  }
0x165: {  	v3 =	vadd.f32 $1.000000000e+00, v3;
	_ =	sdelay $0x1  }
0x166: {  	v3 =	vmul.f32 v3, v4;
	_ =	sdelay $0x1  }
0x167: {  	[tilespmem:s19+$0x410] =	vst v3  }
0x168: {  	v3 =	vld [tilespmem:s20+$0x65A0];
	_ =	sdelay $0x1  }
0x169: {  	v4 =	vld [tilespmem:s19+$0x420];
	_ =	sdelay $0x2  }
0x16a: {  	v3 =	vadd.f32 $1.000000000e+00, v3;
	_ =	sdelay $0x1  }
0x16b: {  	v3 =	vmul.f32 v3, v4;
	_ =	sdelay $0x1  }
0x16c: {  	[tilespmem:s19+$0x420] =	vst v3  }
0x16d: {  	v3 =	vld [tilespmem:s20+$0x65B0];
	_ =	sdelay $0x1  }
0x16e: {  	v4 =	vld [tilespmem:s19+$0x430];
	_ =	sdelay $0x2  }
0x16f: {  	v3 =	vadd.f32 $1.000000000e+00, v3;
	_ =	sdelay $0x1  }
0x170: {  	v3 =	vmul.f32 v3, v4;
	_ =	sdelay $0x1  }
0x171: {  	[tilespmem:s19+$0x430] =	vst v3  }
0x172: {  	v3 =	vld [tilespmem:s20+$0x65C0];
	_ =	sdelay $0x1  }
0x173: {  	v4 =	vld [tilespmem:s19+$0x440];
	_ =	sdelay $0x2  }
0x174: {  	v3 =	vadd.f32 $1.000000000e+00, v3;
	_ =	sdelay $0x1  }
0x175: {  	v3 =	vmul.f32 v3, v4;
	_ =	sdelay $0x1  }
0x176: {  	[tilespmem:s19+$0x440] =	vst v3  }
0x177: {  	v3 =	vld [tilespmem:s20+$0x65D0];
	_ =	sdelay $0x1  }
0x178: {  	v4 =	vld [tilespmem:s19+$0x450];
	_ =	sdelay $0x2  }
0x179: {  	v3 =	vadd.f32 $1.000000000e+00, v3;
	_ =	sdelay $0x1  }
0x17a: {  	v3 =	vmul.f32 v3, v4;
	_ =	sdelay $0x1  }
0x17b: {  	[tilespmem:s19+$0x450] =	vst v3  }
0x17c: {  	v3 =	vld [tilespmem:s20+$0x65E0];
	_ =	sdelay $0x1  }
0x17d: {  	v4 =	vld [tilespmem:s19+$0x460];
	_ =	sdelay $0x2  }
0x17e: {  	v3 =	vadd.f32 $1.000000000e+00, v3;
	_ =	sdelay $0x1  }
0x17f: {  	v3 =	vmul.f32 v3, v4;
	_ =	sdelay $0x1  }
0x180: {  	[tilespmem:s19+$0x460] =	vst v3  }
0x181: {  	v3 =	vld [tilespmem:s20+$0x65F0];
	_ =	sdelay $0x1  }
0x182: {  	v4 =	vld [tilespmem:s19+$0x470];
	_ =	sdelay $0x2  }
0x183: {  	v3 =	vadd.f32 $1.000000000e+00, v3  }
0x184: {  	s22 =	simm.s32 $0x100;
	s20 =	simm.s32 $0x80  }
0x185: {  	s21 =	simm.s32 $0x200;
	s22 =	sand.u32 $0x7800, s22;
	s23 =	sand.u32 $0x380, s20;
	v3 =	vmul.f32 v3, v4  }
.LBB2_4:
0x186: {  	p0 =	sne.s32 s21, $0x5F00  }
0x187: {  	s23 =	sor.u32 s23, s22;
	[tilespmem:s19+$0x470] =	vst v3;
	s22 =	smov.u32 s21;
	s21 =	sadd.s32 $0x100, s21  }
0x188: {  	v3 =	vld [tilespmem:s23+$0x6180];
	_ =	sdelay $0x1  }
0x189: {  	v4 =	vld [tilespmem:s23+$0x18180];
	_ =	sdelay $0x2  }
0x18a: {  	v3 =	vadd.f32 $1.000000000e+00, v3;
	_ =	sdelay $0x1  }
0x18b: {  	v3 =	vmul.f32 v3, v4  }
0x18c: {  	v4 =	vld [tilespmem:s23+$0x6190]  }
0x18d: {  	s19 =	sadd.s32 $0x18180, s23;
	[tilespmem:s23+$0x18180] =	vst v3  }
0x18e: {  	v3 =	vld [tilespmem:s19+$0x10];
	_ =	sdelay $0x2  }
0x18f: {  	v4 =	vadd.f32 $1.000000000e+00, v4;
	_ =	sdelay $0x1  }
0x190: {  	v3 =	vmul.f32 v4, v3;
	_ =	sdelay $0x1  }
0x191: {  	[tilespmem:s19+$0x10] =	vst v3  }
0x192: {  	v3 =	vld [tilespmem:s23+$0x61A0];
	_ =	sdelay $0x1  }
0x193: {  	v4 =	vld [tilespmem:s19+$0x20];
	_ =	sdelay $0x2  }
0x194: {  	v3 =	vadd.f32 $1.000000000e+00, v3;
	_ =	sdelay $0x1  }
0x195: {  	v3 =	vmul.f32 v3, v4;
	_ =	sdelay $0x1  }
0x196: {  	[tilespmem:s19+$0x20] =	vst v3  }
0x197: {  	v3 =	vld [tilespmem:s23+$0x61B0];
	_ =	sdelay $0x1  }
0x198: {  	v4 =	vld [tilespmem:s19+$0x30];
	_ =	sdelay $0x2  }
0x199: {  	v3 =	vadd.f32 $1.000000000e+00, v3;
	_ =	sdelay $0x1  }
0x19a: {  	v3 =	vmul.f32 v3, v4;
	_ =	sdelay $0x1  }
0x19b: {  	[tilespmem:s19+$0x30] =	vst v3  }
0x19c: {  	v3 =	vld [tilespmem:s23+$0x61C0];
	_ =	sdelay $0x1  }
0x19d: {  	v4 =	vld [tilespmem:s19+$0x40];
	_ =	sdelay $0x2  }
0x19e: {  	v3 =	vadd.f32 $1.000000000e+00, v3;
	_ =	sdelay $0x1  }
0x19f: {  	v3 =	vmul.f32 v3, v4;
	_ =	sdelay $0x1  }
0x1a0: {  	[tilespmem:s19+$0x40] =	vst v3  }
0x1a1: {  	v3 =	vld [tilespmem:s23+$0x61D0];
	_ =	sdelay $0x1  }
0x1a2: {  	v4 =	vld [tilespmem:s19+$0x50];
	_ =	sdelay $0x2  }
0x1a3: {  	v3 =	vadd.f32 $1.000000000e+00, v3;
	_ =	sdelay $0x1  }
0x1a4: {  	v3 =	vmul.f32 v3, v4;
	_ =	sdelay $0x1  }
0x1a5: {  	[tilespmem:s19+$0x50] =	vst v3  }
0x1a6: {  	v3 =	vld [tilespmem:s23+$0x61E0];
	_ =	sdelay $0x1  }
0x1a7: {  	v4 =	vld [tilespmem:s19+$0x60];
	_ =	sdelay $0x2  }
0x1a8: {  	v3 =	vadd.f32 $1.000000000e+00, v3;
	_ =	sdelay $0x1  }
0x1a9: {  	v3 =	vmul.f32 v3, v4;
	_ =	sdelay $0x1  }
0x1aa: {  	[tilespmem:s19+$0x60] =	vst v3  }
0x1ab: {  	v3 =	vld [tilespmem:s23+$0x61F0];
	_ =	sdelay $0x1  }
0x1ac: {  	v4 =	vld [tilespmem:s19+$0x70];
	_ =	sdelay $0x2  }
0x1ad: {  	v3 =	vadd.f32 $1.000000000e+00, v3;
	_ =	sdelay $0x1  }
0x1ae: {  	v3 =	vmul.f32 v3, v4;
	_ =	sdelay $0x1  }
0x1af: {  	[tilespmem:s19+$0x70] =	vst v3  }
0x1b0: {  	v3 =	vld [tilespmem:s23+$0x6580];
	_ =	sdelay $0x1  }
0x1b1: {  	v4 =	vld [tilespmem:s19+$0x400];
	_ =	sdelay $0x2  }
0x1b2: {  	v3 =	vadd.f32 $1.000000000e+00, v3;
	_ =	sdelay $0x1  }
0x1b3: {  	v3 =	vmul.f32 v3, v4;
	_ =	sdelay $0x1  }
0x1b4: {  	[tilespmem:s19+$0x400] =	vst v3  }
0x1b5: {  	v3 =	vld [tilespmem:s23+$0x6590];
	_ =	sdelay $0x1  }
0x1b6: {  	v4 =	vld [tilespmem:s19+$0x410];
	_ =	sdelay $0x2  }
0x1b7: {  	v3 =	vadd.f32 $1.000000000e+00, v3;
	_ =	sdelay $0x1  }
0x1b8: {  	v3 =	vmul.f32 v3, v4;
	_ =	sdelay $0x1  }
0x1b9: {  	[tilespmem:s19+$0x410] =	vst v3  }
0x1ba: {  	v3 =	vld [tilespmem:s23+$0x65A0];
	_ =	sdelay $0x1  }
0x1bb: {  	v4 =	vld [tilespmem:s19+$0x420];
	_ =	sdelay $0x2  }
0x1bc: {  	v3 =	vadd.f32 $1.000000000e+00, v3;
	_ =	sdelay $0x1  }
0x1bd: {  	v3 =	vmul.f32 v3, v4;
	_ =	sdelay $0x1  }
0x1be: {  	[tilespmem:s19+$0x420] =	vst v3  }
0x1bf: {  	v3 =	vld [tilespmem:s23+$0x65B0];
	_ =	sdelay $0x1  }
0x1c0: {  	v4 =	vld [tilespmem:s19+$0x430];
	_ =	sdelay $0x2  }
0x1c1: {  	v3 =	vadd.f32 $1.000000000e+00, v3;
	_ =	sdelay $0x1  }
0x1c2: {  	v3 =	vmul.f32 v3, v4;
	_ =	sdelay $0x1  }
0x1c3: {  	[tilespmem:s19+$0x430] =	vst v3  }
0x1c4: {  	v3 =	vld [tilespmem:s23+$0x65C0];
	_ =	sdelay $0x1  }
0x1c5: {  	v4 =	vld [tilespmem:s19+$0x440];
	_ =	sdelay $0x2  }
0x1c6: {  	v3 =	vadd.f32 $1.000000000e+00, v3;
	_ =	sdelay $0x1  }
0x1c7: {  	v3 =	vmul.f32 v3, v4;
	_ =	sdelay $0x1  }
0x1c8: {  	[tilespmem:s19+$0x440] =	vst v3  }
0x1c9: {  	v3 =	vld [tilespmem:s23+$0x65D0];
	_ =	sdelay $0x1  }
0x1ca: {  	v4 =	vld [tilespmem:s19+$0x450];
	_ =	sdelay $0x2  }
0x1cb: {  	v3 =	vadd.f32 $1.000000000e+00, v3;
	_ =	sdelay $0x1  }
0x1cc: {  	v3 =	vmul.f32 v3, v4;
	_ =	sdelay $0x1  }
0x1cd: {  	[tilespmem:s19+$0x450] =	vst v3  }
0x1ce: {  	v3 =	vld [tilespmem:s23+$0x65E0];
	_ =	sdelay $0x1  }
0x1cf: {  	v4 =	vld [tilespmem:s19+$0x460];
	_ =	sdelay $0x2  }
0x1d0: {  	v3 =	vadd.f32 $1.000000000e+00, v3;
	_ =	sdelay $0x1  }
0x1d1: {  	v3 =	vmul.f32 v3, v4;
	_ =	sdelay $0x1  }
0x1d2: {  	[tilespmem:s19+$0x460] =	vst v3  }
0x1d3: {  	v3 =	vld [tilespmem:s23+$0x65F0];
	_ =	sdelay $0x1  }
0x1d4: {  	v4 =	vld [tilespmem:s19+$0x470];
	_ =	sdelay $0x1  }
.Ltmp1:
0x1d5: {  	(pc) =	sbr.rel @p0 .LBB2_4-.Ltmp1, $3  }
0x1d6: {  	v3 =	vadd.f32 $1.000000000e+00, v3;
	_ =	sdelay $0x1  }
0x1d7: {  	s20 =	sadd.s32 $0x80, s20;
	v3 =	vmul.f32 v3, v4  }
0x1d8: {  	s22 =	sand.u32 $0x7800, s22;
	s23 =	sand.u32 $0x380, s20  }
0x1d9: {  	s20 =	sor.u32 s23, s22;
	[tilespmem:s19+$0x470] =	vst v3  }
0x1da: {  	v3 =	vld [tilespmem:s20+$0x6180];
	_ =	sdelay $0x1  }
0x1db: {  	v4 =	vld [tilespmem:s20+$0x18180];
	_ =	sdelay $0x2  }
0x1dc: {  	v3 =	vadd.f32 $1.000000000e+00, v3;
	_ =	sdelay $0x1  }
0x1dd: {  	v3 =	vmul.f32 v3, v4  }
0x1de: {  	v4 =	vld [tilespmem:s20+$0x6190]  }
0x1df: {  	s23 =	sadd.s32 $0x18180, s20;
	[tilespmem:s20+$0x18180] =	vst v3  }
0x1e0: {  	v3 =	vld [tilespmem:s23+$0x10];
	_ =	sdelay $0x2  }
0x1e1: {  	v4 =	vadd.f32 $1.000000000e+00, v4;
	_ =	sdelay $0x1  }
0x1e2: {  	v3 =	vmul.f32 v4, v3;
	_ =	sdelay $0x1  }
0x1e3: {  	[tilespmem:s23+$0x10] =	vst v3  }
0x1e4: {  	v3 =	vld [tilespmem:s20+$0x61A0];
	_ =	sdelay $0x1  }
0x1e5: {  	v4 =	vld [tilespmem:s23+$0x20];
	_ =	sdelay $0x2  }
0x1e6: {  	v3 =	vadd.f32 $1.000000000e+00, v3;
	_ =	sdelay $0x1  }
0x1e7: {  	v3 =	vmul.f32 v3, v4;
	_ =	sdelay $0x1  }
0x1e8: {  	[tilespmem:s23+$0x20] =	vst v3  }
0x1e9: {  	v3 =	vld [tilespmem:s20+$0x61B0];
	_ =	sdelay $0x1  }
0x1ea: {  	v4 =	vld [tilespmem:s23+$0x30];
	_ =	sdelay $0x2  }
0x1eb: {  	v3 =	vadd.f32 $1.000000000e+00, v3;
	_ =	sdelay $0x1  }
0x1ec: {  	v3 =	vmul.f32 v3, v4;
	_ =	sdelay $0x1  }
0x1ed: {  	[tilespmem:s23+$0x30] =	vst v3  }
0x1ee: {  	v3 =	vld [tilespmem:s20+$0x61C0];
	_ =	sdelay $0x1  }
0x1ef: {  	v4 =	vld [tilespmem:s23+$0x40];
	_ =	sdelay $0x2  }
0x1f0: {  	v3 =	vadd.f32 $1.000000000e+00, v3;
	_ =	sdelay $0x1  }
0x1f1: {  	v3 =	vmul.f32 v3, v4;
	_ =	sdelay $0x1  }
0x1f2: {  	[tilespmem:s23+$0x40] =	vst v3  }
0x1f3: {  	v3 =	vld [tilespmem:s20+$0x61D0];
	_ =	sdelay $0x1  }
0x1f4: {  	v4 =	vld [tilespmem:s23+$0x50];
	_ =	sdelay $0x2  }
0x1f5: {  	v3 =	vadd.f32 $1.000000000e+00, v3;
	_ =	sdelay $0x1  }
0x1f6: {  	v3 =	vmul.f32 v3, v4;
	_ =	sdelay $0x1  }
0x1f7: {  	[tilespmem:s23+$0x50] =	vst v3  }
0x1f8: {  	v3 =	vld [tilespmem:s20+$0x61E0];
	_ =	sdelay $0x1  }
0x1f9: {  	v4 =	vld [tilespmem:s23+$0x60];
	_ =	sdelay $0x2  }
0x1fa: {  	v3 =	vadd.f32 $1.000000000e+00, v3;
	_ =	sdelay $0x1  }
0x1fb: {  	v3 =	vmul.f32 v3, v4;
	_ =	sdelay $0x1  }
0x1fc: {  	[tilespmem:s23+$0x60] =	vst v3  }
0x1fd: {  	v3 =	vld [tilespmem:s20+$0x61F0];
	_ =	sdelay $0x1  }
0x1fe: {  	v4 =	vld [tilespmem:s23+$0x70];
	_ =	sdelay $0x2  }
0x1ff: {  	v3 =	vadd.f32 $1.000000000e+00, v3;
	_ =	sdelay $0x1  }
0x200: {  	v3 =	vmul.f32 v3, v4;
	_ =	sdelay $0x1  }
0x201: {  	[tilespmem:s23+$0x70] =	vst v3  }
0x202: {  	v3 =	vld [tilespmem:s20+$0x6580];
	_ =	sdelay $0x1  }
0x203: {  	v4 =	vld [tilespmem:s23+$0x400];
	_ =	sdelay $0x2  }
0x204: {  	v3 =	vadd.f32 $1.000000000e+00, v3;
	_ =	sdelay $0x1  }
0x205: {  	v3 =	vmul.f32 v3, v4;
	_ =	sdelay $0x1  }
0x206: {  	[tilespmem:s23+$0x400] =	vst v3  }
0x207: {  	v3 =	vld [tilespmem:s20+$0x6590];
	_ =	sdelay $0x1  }
0x208: {  	v4 =	vld [tilespmem:s23+$0x410];
	_ =	sdelay $0x2  }
0x209: {  	v3 =	vadd.f32 $1.000000000e+00, v3;
	_ =	sdelay $0x1  }
0x20a: {  	v3 =	vmul.f32 v3, v4;
	_ =	sdelay $0x1  }
0x20b: {  	[tilespmem:s23+$0x410] =	vst v3  }
0x20c: {  	v3 =	vld [tilespmem:s20+$0x65A0];
	_ =	sdelay $0x1  }
0x20d: {  	v4 =	vld [tilespmem:s23+$0x420];
	_ =	sdelay $0x2  }
0x20e: {  	v3 =	vadd.f32 $1.000000000e+00, v3;
	_ =	sdelay $0x1  }
0x20f: {  	v3 =	vmul.f32 v3, v4;
	_ =	sdelay $0x1  }
0x210: {  	[tilespmem:s23+$0x420] =	vst v3  }
0x211: {  	v3 =	vld [tilespmem:s20+$0x65B0];
	_ =	sdelay $0x1  }
0x212: {  	v4 =	vld [tilespmem:s23+$0x430];
	_ =	sdelay $0x2  }
0x213: {  	v3 =	vadd.f32 $1.000000000e+00, v3;
	_ =	sdelay $0x1  }
0x214: {  	v3 =	vmul.f32 v3, v4;
	_ =	sdelay $0x1  }
0x215: {  	[tilespmem:s23+$0x430] =	vst v3  }
0x216: {  	v3 =	vld [tilespmem:s20+$0x65C0];
	_ =	sdelay $0x1  }
0x217: {  	v4 =	vld [tilespmem:s23+$0x440];
	_ =	sdelay $0x2  }
0x218: {  	v3 =	vadd.f32 $1.000000000e+00, v3;
	_ =	sdelay $0x1  }
0x219: {  	v3 =	vmul.f32 v3, v4;
	_ =	sdelay $0x1  }
0x21a: {  	[tilespmem:s23+$0x440] =	vst v3  }
0x21b: {  	v3 =	vld [tilespmem:s20+$0x65D0];
	_ =	sdelay $0x1  }
0x21c: {  	v4 =	vld [tilespmem:s23+$0x450];
	_ =	sdelay $0x2  }
0x21d: {  	v3 =	vadd.f32 $1.000000000e+00, v3;
	_ =	sdelay $0x1  }
0x21e: {  	v3 =	vmul.f32 v3, v4;
	_ =	sdelay $0x1  }
0x21f: {  	[tilespmem:s23+$0x450] =	vst v3  }
0x220: {  	v3 =	vld [tilespmem:s20+$0x65E0];
	_ =	sdelay $0x1  }
0x221: {  	v4 =	vld [tilespmem:s23+$0x460];
	_ =	sdelay $0x2  }
0x222: {  	v3 =	vadd.f32 $1.000000000e+00, v3;
	_ =	sdelay $0x1  }
0x223: {  	v3 =	vmul.f32 v3, v4;
	_ =	sdelay $0x1  }
0x224: {  	[tilespmem:s23+$0x460] =	vst v3  }
0x225: {  	v3 =	vld [tilespmem:s20+$0x65F0];
	_ =	sdelay $0x1  }
0x226: {  	v4 =	vld [tilespmem:s23+$0x470];
	_ =	sdelay $0x2  }
0x227: {  	v3 =	vadd.f32 $1.000000000e+00, v3;
	_ =	sdelay $0x1  }
0x228: {  	v3 =	vmul.f32 v3, v4;
	_ =	sdelay $0x1  }
0x229: {  	s21 =	simm.s32 $0x0;
	[tilespmem:s23+$0x470] =	vst v3  }
0x22a: {  	[hbm4b:s9+s21] =	stream.linear.scatter [tilespmem:s31], [sflag:$0x7], $0x6000, $0x38;
	[tilespmem:$0x1E180] =	vst v63  }
0x22b: {  	_ =	swait.ge [sflag:s16], $0x6000  }
0x22c: {  	[sflag:s16] =	ssyncset.done $0x0  }
0x22d: {  	[sflag:s16] =	ssyncadd.s32 $0xFFFFA000  }
0x22e: {  	_ =	swait.ge [sflag:s0], $0x6000  }
0x22f: {  	s22 =	sand.u32 $0x7800, s21;
	s19 =	sand.u32 $0x380, s21;
	[sflag:s0] =	ssyncset.done $0x0  }
0x230: {  	s20 =	sor.u32 s19, s22;
	[sflag:s0] =	ssyncadd.s32 $0xFFFFA000  }
0x231: {  	v3 =	vld [tilespmem:s20+$0xC180];
	_ =	sdelay $0x1  }
0x232: {  	v4 =	vld [tilespmem:s20+$0x12180];
	_ =	sdelay $0x2  }
0x233: {  	v3 =	vadd.f32 $1.000000000e+00, v3;
	_ =	sdelay $0x1  }
0x234: {  	v3 =	vmul.f32 v3, v4  }
0x235: {  	v4 =	vld [tilespmem:s20+$0xC190]  }
0x236: {  	s19 =	sadd.s32 $0x12180, s20;
	[tilespmem:s20+$0x12180] =	vst v3  }
0x237: {  	v3 =	vld [tilespmem:s19+$0x10];
	_ =	sdelay $0x2  }
0x238: {  	v4 =	vadd.f32 $1.000000000e+00, v4;
	_ =	sdelay $0x1  }
0x239: {  	v3 =	vmul.f32 v4, v3;
	_ =	sdelay $0x1  }
0x23a: {  	[tilespmem:s19+$0x10] =	vst v3  }
0x23b: {  	v3 =	vld [tilespmem:s20+$0xC1A0];
	_ =	sdelay $0x1  }
0x23c: {  	v4 =	vld [tilespmem:s19+$0x20];
	_ =	sdelay $0x2  }
0x23d: {  	v3 =	vadd.f32 $1.000000000e+00, v3;
	_ =	sdelay $0x1  }
0x23e: {  	v3 =	vmul.f32 v3, v4;
	_ =	sdelay $0x1  }
0x23f: {  	[tilespmem:s19+$0x20] =	vst v3  }
0x240: {  	v3 =	vld [tilespmem:s20+$0xC1B0];
	_ =	sdelay $0x1  }
0x241: {  	v4 =	vld [tilespmem:s19+$0x30];
	_ =	sdelay $0x2  }
0x242: {  	v3 =	vadd.f32 $1.000000000e+00, v3;
	_ =	sdelay $0x1  }
0x243: {  	v3 =	vmul.f32 v3, v4;
	_ =	sdelay $0x1  }
0x244: {  	[tilespmem:s19+$0x30] =	vst v3  }
0x245: {  	v3 =	vld [tilespmem:s20+$0xC1C0];
	_ =	sdelay $0x1  }
0x246: {  	v4 =	vld [tilespmem:s19+$0x40];
	_ =	sdelay $0x2  }
0x247: {  	v3 =	vadd.f32 $1.000000000e+00, v3;
	_ =	sdelay $0x1  }
0x248: {  	v3 =	vmul.f32 v3, v4;
	_ =	sdelay $0x1  }
0x249: {  	[tilespmem:s19+$0x40] =	vst v3  }
0x24a: {  	v3 =	vld [tilespmem:s20+$0xC1D0];
	_ =	sdelay $0x1  }
0x24b: {  	v4 =	vld [tilespmem:s19+$0x50];
	_ =	sdelay $0x2  }
0x24c: {  	v3 =	vadd.f32 $1.000000000e+00, v3;
	_ =	sdelay $0x1  }
0x24d: {  	v3 =	vmul.f32 v3, v4;
	_ =	sdelay $0x1  }
0x24e: {  	[tilespmem:s19+$0x50] =	vst v3  }
0x24f: {  	v3 =	vld [tilespmem:s20+$0xC1E0];
	_ =	sdelay $0x1  }
0x250: {  	v4 =	vld [tilespmem:s19+$0x60];
	_ =	sdelay $0x2  }
0x251: {  	v3 =	vadd.f32 $1.000000000e+00, v3;
	_ =	sdelay $0x1  }
0x252: {  	v3 =	vmul.f32 v3, v4;
	_ =	sdelay $0x1  }
0x253: {  	[tilespmem:s19+$0x60] =	vst v3  }
0x254: {  	v3 =	vld [tilespmem:s20+$0xC1F0];
	_ =	sdelay $0x1  }
0x255: {  	v4 =	vld [tilespmem:s19+$0x70];
	_ =	sdelay $0x2  }
0x256: {  	v3 =	vadd.f32 $1.000000000e+00, v3;
	_ =	sdelay $0x1  }
0x257: {  	v3 =	vmul.f32 v3, v4;
	_ =	sdelay $0x1  }
0x258: {  	[tilespmem:s19+$0x70] =	vst v3  }
0x259: {  	v3 =	vld [tilespmem:s20+$0xC580];
	_ =	sdelay $0x1  }
0x25a: {  	v4 =	vld [tilespmem:s19+$0x400];
	_ =	sdelay $0x2  }
0x25b: {  	v3 =	vadd.f32 $1.000000000e+00, v3;
	_ =	sdelay $0x1  }
0x25c: {  	v3 =	vmul.f32 v3, v4;
	_ =	sdelay $0x1  }
0x25d: {  	[tilespmem:s19+$0x400] =	vst v3  }
0x25e: {  	v3 =	vld [tilespmem:s20+$0xC590];
	_ =	sdelay $0x1  }
0x25f: {  	v4 =	vld [tilespmem:s19+$0x410];
	_ =	sdelay $0x2  }
0x260: {  	v3 =	vadd.f32 $1.000000000e+00, v3;
	_ =	sdelay $0x1  }
0x261: {  	v3 =	vmul.f32 v3, v4;
	_ =	sdelay $0x1  }
0x262: {  	[tilespmem:s19+$0x410] =	vst v3  }
0x263: {  	v3 =	vld [tilespmem:s20+$0xC5A0];
	_ =	sdelay $0x1  }
0x264: {  	v4 =	vld [tilespmem:s19+$0x420];
	_ =	sdelay $0x2  }
0x265: {  	v3 =	vadd.f32 $1.000000000e+00, v3;
	_ =	sdelay $0x1  }
0x266: {  	v3 =	vmul.f32 v3, v4;
	_ =	sdelay $0x1  }
0x267: {  	[tilespmem:s19+$0x420] =	vst v3  }
0x268: {  	v3 =	vld [tilespmem:s20+$0xC5B0];
	_ =	sdelay $0x1  }
0x269: {  	v4 =	vld [tilespmem:s19+$0x430];
	_ =	sdelay $0x2  }
0x26a: {  	v3 =	vadd.f32 $1.000000000e+00, v3;
	_ =	sdelay $0x1  }
0x26b: {  	v3 =	vmul.f32 v3, v4;
	_ =	sdelay $0x1  }
0x26c: {  	[tilespmem:s19+$0x430] =	vst v3  }
0x26d: {  	v3 =	vld [tilespmem:s20+$0xC5C0];
	_ =	sdelay $0x1  }
0x26e: {  	v4 =	vld [tilespmem:s19+$0x440];
	_ =	sdelay $0x2  }
0x26f: {  	v3 =	vadd.f32 $1.000000000e+00, v3;
	_ =	sdelay $0x1  }
0x270: {  	v3 =	vmul.f32 v3, v4;
	_ =	sdelay $0x1  }
0x271: {  	[tilespmem:s19+$0x440] =	vst v3  }
0x272: {  	v3 =	vld [tilespmem:s20+$0xC5D0];
	_ =	sdelay $0x1  }
0x273: {  	v4 =	vld [tilespmem:s19+$0x450];
	_ =	sdelay $0x2  }
0x274: {  	v3 =	vadd.f32 $1.000000000e+00, v3;
	_ =	sdelay $0x1  }
0x275: {  	v3 =	vmul.f32 v3, v4;
	_ =	sdelay $0x1  }
0x276: {  	[tilespmem:s19+$0x450] =	vst v3  }
0x277: {  	v3 =	vld [tilespmem:s20+$0xC5E0];
	_ =	sdelay $0x1  }
0x278: {  	v4 =	vld [tilespmem:s19+$0x460];
	_ =	sdelay $0x2  }
0x279: {  	v3 =	vadd.f32 $1.000000000e+00, v3;
	_ =	sdelay $0x1  }
0x27a: {  	v3 =	vmul.f32 v3, v4;
	_ =	sdelay $0x1  }
0x27b: {  	[tilespmem:s19+$0x460] =	vst v3  }
0x27c: {  	v3 =	vld [tilespmem:s20+$0xC5F0];
	_ =	sdelay $0x1  }
0x27d: {  	v4 =	vld [tilespmem:s19+$0x470];
	_ =	sdelay $0x2  }
0x27e: {  	v3 =	vadd.f32 $1.000000000e+00, v3  }
0x27f: {  	s23 =	simm.s32 $0x100;
	s20 =	simm.s32 $0x80  }
0x280: {  	s21 =	simm.s32 $0x200;
	s22 =	sand.u32 $0x7800, s23;
	s23 =	sand.u32 $0x380, s20;
	v3 =	vmul.f32 v3, v4  }
.LBB2_6:
0x281: {  	p0 =	sne.s32 s21, $0x5F00  }
0x282: {  	s23 =	sor.u32 s23, s22;
	[tilespmem:s19+$0x470] =	vst v3;
	s22 =	smov.u32 s21;
	s21 =	sadd.s32 $0x100, s21  }
0x283: {  	v3 =	vld [tilespmem:s23+$0xC180];
	_ =	sdelay $0x1  }
0x284: {  	v4 =	vld [tilespmem:s23+$0x12180];
	_ =	sdelay $0x2  }
0x285: {  	v3 =	vadd.f32 $1.000000000e+00, v3;
	_ =	sdelay $0x1  }
0x286: {  	v3 =	vmul.f32 v3, v4  }
0x287: {  	v4 =	vld [tilespmem:s23+$0xC190]  }
0x288: {  	s19 =	sadd.s32 $0x12180, s23;
	[tilespmem:s23+$0x12180] =	vst v3  }
0x289: {  	v3 =	vld [tilespmem:s19+$0x10];
	_ =	sdelay $0x2  }
0x28a: {  	v4 =	vadd.f32 $1.000000000e+00, v4;
	_ =	sdelay $0x1  }
0x28b: {  	v3 =	vmul.f32 v4, v3;
	_ =	sdelay $0x1  }
0x28c: {  	[tilespmem:s19+$0x10] =	vst v3  }
0x28d: {  	v3 =	vld [tilespmem:s23+$0xC1A0];
	_ =	sdelay $0x1  }
0x28e: {  	v4 =	vld [tilespmem:s19+$0x20];
	_ =	sdelay $0x2  }
0x28f: {  	v3 =	vadd.f32 $1.000000000e+00, v3;
	_ =	sdelay $0x1  }
0x290: {  	v3 =	vmul.f32 v3, v4;
	_ =	sdelay $0x1  }
0x291: {  	[tilespmem:s19+$0x20] =	vst v3  }
0x292: {  	v3 =	vld [tilespmem:s23+$0xC1B0];
	_ =	sdelay $0x1  }
0x293: {  	v4 =	vld [tilespmem:s19+$0x30];
	_ =	sdelay $0x2  }
0x294: {  	v3 =	vadd.f32 $1.000000000e+00, v3;
	_ =	sdelay $0x1  }
0x295: {  	v3 =	vmul.f32 v3, v4;
	_ =	sdelay $0x1  }
0x296: {  	[tilespmem:s19+$0x30] =	vst v3  }
0x297: {  	v3 =	vld [tilespmem:s23+$0xC1C0];
	_ =	sdelay $0x1  }
0x298: {  	v4 =	vld [tilespmem:s19+$0x40];
	_ =	sdelay $0x2  }
0x299: {  	v3 =	vadd.f32 $1.000000000e+00, v3;
	_ =	sdelay $0x1  }
0x29a: {  	v3 =	vmul.f32 v3, v4;
	_ =	sdelay $0x1  }
0x29b: {  	[tilespmem:s19+$0x40] =	vst v3  }
0x29c: {  	v3 =	vld [tilespmem:s23+$0xC1D0];
	_ =	sdelay $0x1  }
0x29d: {  	v4 =	vld [tilespmem:s19+$0x50];
	_ =	sdelay $0x2  }
0x29e: {  	v3 =	vadd.f32 $1.000000000e+00, v3;
	_ =	sdelay $0x1  }
0x29f: {  	v3 =	vmul.f32 v3, v4;
	_ =	sdelay $0x1  }
0x2a0: {  	[tilespmem:s19+$0x50] =	vst v3  }
0x2a1: {  	v3 =	vld [tilespmem:s23+$0xC1E0];
	_ =	sdelay $0x1  }
0x2a2: {  	v4 =	vld [tilespmem:s19+$0x60];
	_ =	sdelay $0x2  }
0x2a3: {  	v3 =	vadd.f32 $1.000000000e+00, v3;
	_ =	sdelay $0x1  }
0x2a4: {  	v3 =	vmul.f32 v3, v4;
	_ =	sdelay $0x1  }
0x2a5: {  	[tilespmem:s19+$0x60] =	vst v3  }
0x2a6: {  	v3 =	vld [tilespmem:s23+$0xC1F0];
	_ =	sdelay $0x1  }
0x2a7: {  	v4 =	vld [tilespmem:s19+$0x70];
	_ =	sdelay $0x2  }
0x2a8: {  	v3 =	vadd.f32 $1.000000000e+00, v3;
	_ =	sdelay $0x1  }
0x2a9: {  	v3 =	vmul.f32 v3, v4;
	_ =	sdelay $0x1  }
0x2aa: {  	[tilespmem:s19+$0x70] =	vst v3  }
0x2ab: {  	v3 =	vld [tilespmem:s23+$0xC580];
	_ =	sdelay $0x1  }
0x2ac: {  	v4 =	vld [tilespmem:s19+$0x400];
	_ =	sdelay $0x2  }
0x2ad: {  	v3 =	vadd.f32 $1.000000000e+00, v3;
	_ =	sdelay $0x1  }
0x2ae: {  	v3 =	vmul.f32 v3, v4;
	_ =	sdelay $0x1  }
0x2af: {  	[tilespmem:s19+$0x400] =	vst v3  }
0x2b0: {  	v3 =	vld [tilespmem:s23+$0xC590];
	_ =	sdelay $0x1  }
0x2b1: {  	v4 =	vld [tilespmem:s19+$0x410];
	_ =	sdelay $0x2  }
0x2b2: {  	v3 =	vadd.f32 $1.000000000e+00, v3;
	_ =	sdelay $0x1  }
0x2b3: {  	v3 =	vmul.f32 v3, v4;
	_ =	sdelay $0x1  }
0x2b4: {  	[tilespmem:s19+$0x410] =	vst v3  }
0x2b5: {  	v3 =	vld [tilespmem:s23+$0xC5A0];
	_ =	sdelay $0x1  }
0x2b6: {  	v4 =	vld [tilespmem:s19+$0x420];
	_ =	sdelay $0x2  }
0x2b7: {  	v3 =	vadd.f32 $1.000000000e+00, v3;
	_ =	sdelay $0x1  }
0x2b8: {  	v3 =	vmul.f32 v3, v4;
	_ =	sdelay $0x1  }
0x2b9: {  	[tilespmem:s19+$0x420] =	vst v3  }
0x2ba: {  	v3 =	vld [tilespmem:s23+$0xC5B0];
	_ =	sdelay $0x1  }
0x2bb: {  	v4 =	vld [tilespmem:s19+$0x430];
	_ =	sdelay $0x2  }
0x2bc: {  	v3 =	vadd.f32 $1.000000000e+00, v3;
	_ =	sdelay $0x1  }
0x2bd: {  	v3 =	vmul.f32 v3, v4;
	_ =	sdelay $0x1  }
0x2be: {  	[tilespmem:s19+$0x430] =	vst v3  }
0x2bf: {  	v3 =	vld [tilespmem:s23+$0xC5C0];
	_ =	sdelay $0x1  }
0x2c0: {  	v4 =	vld [tilespmem:s19+$0x440];
	_ =	sdelay $0x2  }
0x2c1: {  	v3 =	vadd.f32 $1.000000000e+00, v3;
	_ =	sdelay $0x1  }
0x2c2: {  	v3 =	vmul.f32 v3, v4;
	_ =	sdelay $0x1  }
0x2c3: {  	[tilespmem:s19+$0x440] =	vst v3  }
0x2c4: {  	v3 =	vld [tilespmem:s23+$0xC5D0];
	_ =	sdelay $0x1  }
0x2c5: {  	v4 =	vld [tilespmem:s19+$0x450];
	_ =	sdelay $0x2  }
0x2c6: {  	v3 =	vadd.f32 $1.000000000e+00, v3;
	_ =	sdelay $0x1  }
0x2c7: {  	v3 =	vmul.f32 v3, v4;
	_ =	sdelay $0x1  }
0x2c8: {  	[tilespmem:s19+$0x450] =	vst v3  }
0x2c9: {  	v3 =	vld [tilespmem:s23+$0xC5E0];
	_ =	sdelay $0x1  }
0x2ca: {  	v4 =	vld [tilespmem:s19+$0x460];
	_ =	sdelay $0x2  }
0x2cb: {  	v3 =	vadd.f32 $1.000000000e+00, v3;
	_ =	sdelay $0x1  }
0x2cc: {  	v3 =	vmul.f32 v3, v4;
	_ =	sdelay $0x1  }
0x2cd: {  	[tilespmem:s19+$0x460] =	vst v3  }
0x2ce: {  	v3 =	vld [tilespmem:s23+$0xC5F0];
	_ =	sdelay $0x1  }
0x2cf: {  	v4 =	vld [tilespmem:s19+$0x470];
	_ =	sdelay $0x1  }
.Ltmp2:
0x2d0: {  	(pc) =	sbr.rel @p0 .LBB2_6-.Ltmp2, $3  }
0x2d1: {  	v3 =	vadd.f32 $1.000000000e+00, v3;
	_ =	sdelay $0x1  }
0x2d2: {  	s20 =	sadd.s32 $0x80, s20;
	v3 =	vmul.f32 v3, v4  }
0x2d3: {  	s22 =	sand.u32 $0x7800, s22;
	s23 =	sand.u32 $0x380, s20  }
0x2d4: {  	s20 =	sor.u32 s23, s22;
	[tilespmem:s19+$0x470] =	vst v3  }
0x2d5: {  	v3 =	vld [tilespmem:s20+$0xC180];
	_ =	sdelay $0x1  }
0x2d6: {  	v4 =	vld [tilespmem:s20+$0x12180];
	_ =	sdelay $0x2  }
0x2d7: {  	v3 =	vadd.f32 $1.000000000e+00, v3;
	_ =	sdelay $0x1  }
0x2d8: {  	v3 =	vmul.f32 v3, v4  }
0x2d9: {  	v49 =	vld [tilespmem:s20+$0xC190]  }
0x2da: {  	s23 =	sadd.s32 $0x12180, s20;
	[tilespmem:s20+$0x12180] =	vst v3  }
0x2db: {  	v3 =	vld [tilespmem:s23+$0x10];
	_ =	sdelay $0x2  }
0x2dc: {  	v4 =	vadd.f32 $1.000000000e+00, v49;
	_ =	sdelay $0x1  }
0x2dd: {  	v3 =	vmul.f32 v4, v3;
	_ =	sdelay $0x1  }
0x2de: {  	[tilespmem:s23+$0x10] =	vst v3  }
0x2df: {  	v3 =	vld [tilespmem:s20+$0xC1A0];
	_ =	sdelay $0x1  }
0x2e0: {  	v50 =	vld [tilespmem:s23+$0x20];
	_ =	sdelay $0x2  }
0x2e1: {  	v3 =	vadd.f32 $1.000000000e+00, v3;
	_ =	sdelay $0x1  }
0x2e2: {  	v3 =	vmul.f32 v3, v50;
	_ =	sdelay $0x1  }
0x2e3: {  	[tilespmem:s23+$0x20] =	vst v3  }
0x2e4: {  	v3 =	vld [tilespmem:s20+$0xC1B0];
	_ =	sdelay $0x1  }
0x2e5: {  	v51 =	vld [tilespmem:s23+$0x30];
	_ =	sdelay $0x2  }
0x2e6: {  	v3 =	vadd.f32 $1.000000000e+00, v3;
	_ =	sdelay $0x1  }
0x2e7: {  	v3 =	vmul.f32 v3, v51;
	_ =	sdelay $0x1  }
0x2e8: {  	[tilespmem:s23+$0x30] =	vst v3  }
0x2e9: {  	v3 =	vld [tilespmem:s20+$0xC1C0];
	_ =	sdelay $0x1  }
0x2ea: {  	v52 =	vld [tilespmem:s23+$0x40];
	_ =	sdelay $0x2  }
0x2eb: {  	v3 =	vadd.f32 $1.000000000e+00, v3;
	_ =	sdelay $0x1  }
0x2ec: {  	v3 =	vmul.f32 v3, v52;
	_ =	sdelay $0x1  }
0x2ed: {  	[tilespmem:s23+$0x40] =	vst v3  }
0x2ee: {  	v3 =	vld [tilespmem:s20+$0xC1D0];
	_ =	sdelay $0x1  }
0x2ef: {  	v53 =	vld [tilespmem:s23+$0x50];
	_ =	sdelay $0x2  }
0x2f0: {  	v3 =	vadd.f32 $1.000000000e+00, v3;
	_ =	sdelay $0x1  }
0x2f1: {  	v3 =	vmul.f32 v3, v53;
	_ =	sdelay $0x1  }
0x2f2: {  	[tilespmem:s23+$0x50] =	vst v3  }
0x2f3: {  	v3 =	vld [tilespmem:s20+$0xC1E0];
	_ =	sdelay $0x1  }
0x2f4: {  	v54 =	vld [tilespmem:s23+$0x60];
	_ =	sdelay $0x2  }
0x2f5: {  	v3 =	vadd.f32 $1.000000000e+00, v3;
	_ =	sdelay $0x1  }
0x2f6: {  	v3 =	vmul.f32 v3, v54;
	_ =	sdelay $0x1  }
0x2f7: {  	[tilespmem:s23+$0x60] =	vst v3  }
0x2f8: {  	v3 =	vld [tilespmem:s20+$0xC1F0];
	_ =	sdelay $0x1  }
0x2f9: {  	v55 =	vld [tilespmem:s23+$0x70];
	_ =	sdelay $0x2  }
0x2fa: {  	v3 =	vadd.f32 $1.000000000e+00, v3;
	_ =	sdelay $0x1  }
0x2fb: {  	v3 =	vmul.f32 v3, v55;
	_ =	sdelay $0x1  }
0x2fc: {  	[tilespmem:s23+$0x70] =	vst v3  }
0x2fd: {  	v3 =	vld [tilespmem:s20+$0xC580];
	_ =	sdelay $0x1  }
0x2fe: {  	v56 =	vld [tilespmem:s23+$0x400];
	_ =	sdelay $0x2  }
0x2ff: {  	v3 =	vadd.f32 $1.000000000e+00, v3;
	_ =	sdelay $0x1  }
0x300: {  	v3 =	vmul.f32 v3, v56;
	_ =	sdelay $0x1  }
0x301: {  	[tilespmem:s23+$0x400] =	vst v3  }
0x302: {  	v3 =	vld [tilespmem:s20+$0xC590];
	_ =	sdelay $0x1  }
0x303: {  	v57 =	vld [tilespmem:s23+$0x410];
	_ =	sdelay $0x2  }
0x304: {  	v3 =	vadd.f32 $1.000000000e+00, v3;
	_ =	sdelay $0x1  }
0x305: {  	v3 =	vmul.f32 v3, v57;
	_ =	sdelay $0x1  }
0x306: {  	[tilespmem:s23+$0x410] =	vst v3  }
0x307: {  	v3 =	vld [tilespmem:s20+$0xC5A0];
	_ =	sdelay $0x1  }
0x308: {  	v58 =	vld [tilespmem:s23+$0x420];
	_ =	sdelay $0x2  }
0x309: {  	v3 =	vadd.f32 $1.000000000e+00, v3;
	_ =	sdelay $0x1  }
0x30a: {  	v3 =	vmul.f32 v3, v58;
	_ =	sdelay $0x1  }
0x30b: {  	[tilespmem:s23+$0x420] =	vst v3  }
0x30c: {  	v3 =	vld [tilespmem:s20+$0xC5B0];
	_ =	sdelay $0x1  }
0x30d: {  	v59 =	vld [tilespmem:s23+$0x430];
	_ =	sdelay $0x2  }
0x30e: {  	v3 =	vadd.f32 $1.000000000e+00, v3;
	_ =	sdelay $0x1  }
0x30f: {  	v3 =	vmul.f32 v3, v59;
	_ =	sdelay $0x1  }
0x310: {  	[tilespmem:s23+$0x430] =	vst v3  }
0x311: {  	v3 =	vld [tilespmem:s20+$0xC5C0];
	_ =	sdelay $0x1  }
0x312: {  	v60 =	vld [tilespmem:s23+$0x440];
	_ =	sdelay $0x2  }
0x313: {  	v3 =	vadd.f32 $1.000000000e+00, v3;
	_ =	sdelay $0x1  }
0x314: {  	v3 =	vmul.f32 v3, v60;
	_ =	sdelay $0x1  }
0x315: {  	[tilespmem:s23+$0x440] =	vst v3  }
0x316: {  	v3 =	vld [tilespmem:s20+$0xC5D0];
	_ =	sdelay $0x1  }
0x317: {  	v61 =	vld [tilespmem:s23+$0x450];
	_ =	sdelay $0x2  }
0x318: {  	v3 =	vadd.f32 $1.000000000e+00, v3;
	_ =	sdelay $0x1  }
0x319: {  	v3 =	vmul.f32 v3, v61;
	_ =	sdelay $0x1  }
0x31a: {  	[tilespmem:s23+$0x450] =	vst v3  }
0x31b: {  	v3 =	vld [tilespmem:s20+$0xC5E0];
	_ =	sdelay $0x1  }
0x31c: {  	v62 =	vld [tilespmem:s23+$0x460];
	_ =	sdelay $0x2  }
0x31d: {  	v3 =	vadd.f32 $1.000000000e+00, v3;
	_ =	sdelay $0x1  }
0x31e: {  	v3 =	vmul.f32 v3, v62;
	_ =	sdelay $0x1  }
0x31f: {  	[tilespmem:s23+$0x460] =	vst v3  }
0x320: {  	v3 =	vld [tilespmem:s20+$0xC5F0];
	_ =	sdelay $0x1  }
0x321: {  	v63 =	vld [tilespmem:s23+$0x470];
	_ =	sdelay $0x2  }
0x322: {  	v3 =	vadd.f32 $1.000000000e+00, v3;
	_ =	sdelay $0x1  }
0x323: {  	v3 =	vmul.f32 v3, v63;
	_ =	sdelay $0x1  }
0x324: {  	s18 =	sadd.s32 $0x1, s18;
	[tilespmem:s23+$0x470] =	vst v3  }
0x325: {  	[hbm4b:s10+s3] =	stream.linear.scatter [tilespmem:s30], [sflag:$0x6], $0x6000, $0x38;
	[tilespmem:$0x1E180] =	vst v63  }
0x326: {  	p0 =	sne.s32 s18, s11;
	_ =	swait.ge [sflag:s17], $0x6000  }
.Ltmp3:
0x327: {  	[sflag:s17] =	ssyncset.done $0x0;
	(pc) =	sbr.rel @p0 .LBB2_1-.Ltmp3, $4  }
0x328: {  	[sflag:s17] =	ssyncadd.s32 $0xFFFFA000  }
0x329: {  	_ =	swait.ge [sflag:s13], $0x6000  }
0x32a: {  	[sflag:s13] =	ssyncset.done $0x0  }
0x32b: {  	[sflag:s13] =	ssyncadd.s32 $0xFFFFA000  }
0x32c: {  	_ =	sfence.sel $0x180000  }
0x32d: {  	[bflag:$0x0] =	sbarrier.arrive $0xFFFF  }
0x32e: {  	_ =	strace $0x90000047  }
0x32f: {  	s0 =	stileid.u32;
	[bflag:$0x2] =	sbarrier.arrive $0xFFFF  }
0x330: {  	p0 =	sne.s32 s0, $0x0;
	s0 =	rddreg [dreg:$0x4]  }
0x331: {  	s0 =	sadd.s32 @!p0 $0x100000, s0  }
0x332: {  	[sflag:s0] =	ssyncadd.tile.s32 @!p0 $0x1;
	_ =	shalt  }
.Lfunc_end2:
_tile_overlayer_lowered:
.L_overlay_start_2:
0x333: {  	(tag) =	ssettag $0x2  }
0x334: {  	s0 =	rddreg [dreg:$0x0];
	s2 =	stileid.u32  }
0x335: {  	s1 =	rddreg [dreg:$0x1];
	p0 =	sne.s32 s2, $0x0  }
0x336: {  	s3 =	rddreg [dreg:$0x2];
	[bflag:$0x3] =	sbarrier.arrive $0xFFFF;
	s2 =	simm.s32 @!p0 $0x1C08  }
0x337: {  	[timem:s3], [sflag:s2] =	dma.local @!p0 [hbm:s0], s1  }
0x338: {  	s0 =	simm.s32 @!p0 $0x8  }
0x339: {  	_ =	swait.ge @!p0 [sflag:s0], s1  }
0x33a: {  	s1 =	ssub.s32 @!p0 $0x0, s1;
	[sflag:s0] =	ssyncset.done @!p0 $0x0  }
0x33b: {  	[sflag:s0] =	ssyncadd.s32 @!p0 s1  }
0x33c: {  	[bflag:$0x3] =	sbarrier.arrive $0xFFFF  }
0x33d: {  	_ =	shalt  }

</sc_bundles>
